<compile_context>
chip_gen: v7x
topology: tpu7x:2x2x1
jax: 0.10.2.dev20260603
libtpu: 0.0.44.dev20260713+nightly
codegen_flags: <defaults>
</compile_context>

<pallas_src>
import functools

import jax
import jax.numpy as jnp
from jax import lax
from jax.experimental import pallas as pl
from jax.experimental.pallas import tpu as pltpu
from jax.experimental.pallas import tpu_sc as plsc

_N = 10000
_E = 320000
_D = 128

_NC = 2
_NS = 16
_NW = _NC * _NS
_GRP = 128
_GPT = 80
_E_PAD = _NW * _GPT * _GRP
_N_PAD = 10240
_DUMMY = _N
_RPS = _N_PAD // _NS
_ZCH = _RPS // _GRP

_mesh = plsc.VectorSubcoreMesh(core_axis_name="c", subcore_axis_name="s")

_DW = 128


@functools.partial(
    pl.kernel,
    out_type=jax.ShapeDtypeStruct((_NC, _N_PAD, _DW), jnp.float32),
    mesh=_mesh,
    scratch_types=[
        pltpu.VMEM((_GPT, _GRP), jnp.int32),
        pltpu.VMEM((_GRP, _DW), jnp.float32),
        pltpu.VMEM_SHARED((_N_PAD, _DW), jnp.float32),
    ],
)
def _deg_kernel(dst_hbm, ones_hbm, zeros_hbm, out_hbm, idx_v, buf, acc):
    cid = lax.axis_index("c")
    sid = lax.axis_index("s")
    wid = sid * _NC + cid
    pltpu.sync_copy(zeros_hbm, buf)
    base = sid * _RPS
    for k in range(_ZCH):
        pltpu.sync_copy(buf, acc.at[pl.ds(base + k * _GRP, _GRP)])
    pltpu.sync_copy(ones_hbm, buf)
    plsc.subcore_barrier()
    pltpu.sync_copy(dst_hbm.at[wid], idx_v)

    @pl.loop(0, _GPT)
    def _(j):
        pltpu.sync_copy(buf, acc.at[idx_v.at[j]], add=True)

    plsc.subcore_barrier()
    pltpu.sync_copy(acc.at[pl.ds(base, _RPS)], out_hbm.at[cid].at[pl.ds(base, _RPS)])


@functools.partial(
    pl.kernel,
    out_type=jax.ShapeDtypeStruct((_NC, _N_PAD, _D), jnp.float32),
    mesh=_mesh,
    scratch_types=[
        pltpu.VMEM((_GPT // 2, _GRP), jnp.int32),
        pltpu.VMEM((_GPT // 2, _GRP), jnp.int32),
        pltpu.VMEM((_GRP, _D), jnp.float32),
        pltpu.VMEM((_GRP, _D), jnp.float32),
        pltpu.VMEM_SHARED((_N_PAD, _D), jnp.float32),
        pltpu.SemaphoreType.DMA,
        pltpu.SemaphoreType.DMA,
    ],
)
def _agg_kernel(g_hbm, src_hbm, dst_hbm, zeros_hbm, out_hbm,
                idx_s, idx_d, rows_a, rows_b, acc, sem_a, sem_b):
    cid = lax.axis_index("c")
    sid = lax.axis_index("s")
    wid = sid * _NC + cid
    hg = _GPT // 2
    pltpu.sync_copy(zeros_hbm, rows_a)
    base = sid * _RPS
    for k in range(_ZCH):
        pltpu.sync_copy(rows_a, acc.at[pl.ds(base + k * _GRP, _GRP)])
    plsc.subcore_barrier()

    for h in range(2):
        pltpu.sync_copy(src_hbm.at[wid].at[pl.ds(h * hg, hg)], idx_s)
        pltpu.sync_copy(dst_hbm.at[wid].at[pl.ds(h * hg, hg)], idx_d)
        pltpu.make_async_copy(g_hbm.at[idx_s.at[0]], rows_a, sem_a).start()

        @pl.loop(0, hg, step=2)
        def _(j):
            pltpu.make_async_copy(g_hbm.at[idx_s.at[j + 1]], rows_b, sem_b).start()
            pltpu.make_async_copy(g_hbm.at[idx_s.at[j]], rows_a, sem_a).wait()
            pltpu.sync_copy(rows_a, acc.at[idx_d.at[j]], add=True)

            @pl.when(j + 2 < hg)
            def _():
                pltpu.make_async_copy(g_hbm.at[idx_s.at[j + 2]], rows_a, sem_a).start()

            pltpu.make_async_copy(g_hbm.at[idx_s.at[j + 1]], rows_b, sem_b).wait()
            pltpu.sync_copy(rows_b, acc.at[idx_d.at[j + 1]], add=True)

    plsc.subcore_barrier()
    pltpu.sync_copy(acc.at[pl.ds(base, _RPS)], out_hbm.at[cid].at[pl.ds(base, _RPS)])


_BLK_MM = 1280


def _gemm_scale_body(x_ref, w_ref, d0_ref, d1_ref, g_ref):
    h = lax.dot_general(x_ref[...], w_ref[...], (((1,), (0,)), ((), ())),
                        preferred_element_type=jnp.float32,
                        precision=lax.Precision.HIGHEST)
    deg = 1.0 + d0_ref[:, 0:1] + d1_ref[:, 0:1]
    g_ref[...] = h * lax.rsqrt(deg)


_gemm_scale = pl.pallas_call(
    _gemm_scale_body,
    out_shape=jax.ShapeDtypeStruct((_N_PAD, _D), jnp.float32),
    grid=(_N_PAD // _BLK_MM,),
    in_specs=[
        pl.BlockSpec((_BLK_MM, _D), lambda i: (i, 0)),
        pl.BlockSpec((_D, _D), lambda i: (0, 0)),
        pl.BlockSpec((_BLK_MM, _DW), lambda i: (i, 0)),
        pl.BlockSpec((_BLK_MM, _DW), lambda i: (i, 0)),
    ],
    out_specs=pl.BlockSpec((_BLK_MM, _D), lambda i: (i, 0)),
)


_BLK_EP = 2000


def _epilogue_body(s0_ref, s1_ref, g_ref, d0_ref, d1_ref, b_ref, x_ref, o_ref):
    deg = 1.0 + d0_ref[:, 0:1] + d1_ref[:, 0:1]
    dinv = lax.rsqrt(deg)
    conv = dinv * (s0_ref[...] + s1_ref[...] + g_ref[...]) + b_ref[...]
    o_ref[...] = jnp.maximum(conv, 0.0) + x_ref[...]


_epilogue = pl.pallas_call(
    _epilogue_body,
    out_shape=jax.ShapeDtypeStruct((_N, _D), jnp.float32),
    grid=(_N // _BLK_EP,),
    in_specs=[
        pl.BlockSpec((_BLK_EP, _D), lambda i: (i, 0)),
        pl.BlockSpec((_BLK_EP, _D), lambda i: (i, 0)),
        pl.BlockSpec((_BLK_EP, _D), lambda i: (i, 0)),
        pl.BlockSpec((_BLK_EP, _DW), lambda i: (i, 0)),
        pl.BlockSpec((_BLK_EP, _DW), lambda i: (i, 0)),
        pl.BlockSpec((1, _D), lambda i: (0, 0)),
        pl.BlockSpec((_BLK_EP, _D), lambda i: (i, 0)),
    ],
    out_specs=pl.BlockSpec((_BLK_EP, _D), lambda i: (i, 0)),
)


def kernel(x, edge_index, W, b):
    src = edge_index[0].astype(jnp.int32)
    dst = edge_index[1].astype(jnp.int32)
    pad = _E_PAD - _E
    fill = _DUMMY + (jnp.arange(pad, dtype=jnp.int32) % (_N_PAD - _N))
    src_g = jnp.concatenate([src, fill]).reshape(_NW, _GPT, _GRP)
    dst_g = jnp.concatenate([dst, fill]).reshape(_NW, _GPT, _GRP)
    x_pad = jnp.pad(x, ((0, _N_PAD - _N), (0, 0)))

    ones_dw = jnp.ones((_GRP, _DW), jnp.float32)
    zeros_dw = jnp.zeros((_GRP, _DW), jnp.float32)
    zeros128 = jnp.zeros((_GRP, _D), jnp.float32)

    d_part = _deg_kernel(dst_g, ones_dw, zeros_dw)
    d0 = d_part[0]
    d1 = d_part[1]
    g = _gemm_scale(x_pad, W, d0, d1)
    s_part = _agg_kernel(g, src_g, dst_g, zeros128)
    out = _epilogue(s_part[0], s_part[1], g, d0, d1,
                    b.reshape(1, _D), x)
    return out

# --- scband reference (transcript-rebuilt; emitter-appended) ---
"""Pipeline reference for scband-residual-gcnlayer-88527865905437 (READ-ONLY COPY).

The authoritative reference and input builder live on the scoring server;
editing this copy changes nothing except your own understanding.
"""

import jax, jax.numpy as jnp
import numpy as np

N_NODES = 10000
N_EDGES = 320000
D_IN = 128
D_OUT = 128


def setup_inputs(seed: int = 0) -> dict:
    key = jax.random.key(seed)
    k1, k2, k3 = jax.random.split(key, 3)
    x = jax.random.normal(k1, (N_NODES, D_IN), dtype=jnp.float32)
    edge_index = jax.random.randint(k2, (2, N_EDGES), 0, N_NODES)
    # GCNConv learned params (glorot-ish init for weight, zeros bias)
    W = jax.random.normal(k3, (D_IN, D_OUT), dtype=jnp.float32) * (1.0 / np.sqrt(D_IN))
    b = jnp.zeros((D_OUT,), dtype=jnp.float32)
    return {"x": x, "edge_index": edge_index, "W": W, "b": b}


def reference(x, edge_index, W, b):
    # ResidualGCNLayer.forward (eval mode: dropout is identity).
    # in_channels == out_channels -> skip_connection is Identity.
    N = x.shape[0]
    identity = x

    # GCNConv: add self-loops (improved=False -> fill value 1.0)
    loop = jnp.arange(N, dtype=edge_index.dtype)
    src = jnp.concatenate([edge_index[0], loop])
    dst = jnp.concatenate([edge_index[1], loop])

    # symmetric normalization: deg computed on dst with self-loops included
    ones = jnp.ones_like(src, dtype=jnp.float32)
    deg = jax.ops.segment_sum(ones, dst, num_segments=N)
    deg_inv_sqrt = jnp.where(deg > 0, jax.lax.rsqrt(jnp.maximum(deg, 1e-12)), 0.0)
    norm = deg_inv_sqrt[src] * deg_inv_sqrt[dst]

    # linear transform then propagate (gather -> scale -> scatter-add)
    h = x @ W
    msg = jnp.take(h, src, axis=0) * norm[:, None]
    agg = jax.ops.segment_sum(msg, dst, num_segments=N)
    conv_out = agg + b

    out = jax.nn.relu(conv_out)
    # dropout(p=0.6) in eval mode: identity
    out = out + identity
    return out

if __name__ == "__main__":
    import jax
    _d = setup_inputs()
    print(jax.jit(kernel)(*tuple(_d.values())))

</pallas_src>

<mosaic_0001>
#map = affine_map<(d0, d1) -> (0, 0, 0)>
#map1 = affine_map<(d0, d1) -> (0, 0)>
module attributes {stable_mosaic.version = 14 : i64} {
  func.func @_deg_kernel(%arg0: i32, %arg1: i32, %arg2: memref<32x80x128xi32, #tpu.memory_space<hbm>>, %arg3: memref<128x128xf32, #tpu.memory_space<hbm>>, %arg4: memref<128x128xf32, #tpu.memory_space<hbm>>, %arg5: memref<2x10240x128xf32, #tpu.memory_space<hbm>>, %arg6: memref<80x128xi32, #tpu.memory_space<vmem>>, %arg7: memref<128x128xf32, #tpu.memory_space<vmem>>, %arg8: memref<10240x128xf32, #tpu.memory_space<vmem_shared>>) attributes {dimension_semantics = [#tpu.dimension_semantics<core_parallel>, #tpu.dimension_semantics<subcore_parallel>], iteration_bounds = array<i64: 2, 16>, scalar_prefetch = 0 : i64, scratch_operands = 3 : i64, tpu.core_type = #tpu.core_type<sc_vector_subcore>, window_params = [{transform_indices = #map}, {transform_indices = #map1}, {transform_indices = #map1}, {transform_indices = #map}]} {
    %mul3A = arith.constant 2 : i32
    %mul3A_0 = arith.muli %arg1, %mul3A : i32
    %add3A = arith.addi %mul3A_0, %arg0 : i32
    "tpu.region"() ({
      %run_scoped3A = tpu.sem_alloc : memref<!tpu.dma_semaphore, #tpu.memory_space<semaphore_mem>>
      tpu.enqueue_dma source(%arg4 : memref<128x128xf32, #tpu.memory_space<hbm>>) target(%arg7 : memref<128x128xf32, #tpu.memory_space<vmem>>) target_semaphore(%run_scoped3A : memref<!tpu.dma_semaphore, #tpu.memory_space<semaphore_mem>>)
      tpu.wait_dma2 semaphore(%run_scoped3A : memref<!tpu.dma_semaphore, #tpu.memory_space<semaphore_mem>>) src(%arg4 : memref<128x128xf32, #tpu.memory_space<hbm>>) dst(%arg7 : memref<128x128xf32, #tpu.memory_space<vmem>>)
      tpu.yield
    }) : () -> ()
    %mul3A_1 = arith.constant 640 : i32
    %mul3A_2 = arith.muli %arg1, %mul3A_1 : i32
    %add3A_3 = arith.constant 0 : i32
    %add3A_4 = arith.addi %mul3A_2, %add3A_3 : i32
    "tpu.region"() ({
      %run_scoped3A = tpu.sem_alloc : memref<!tpu.dma_semaphore, #tpu.memory_space<semaphore_mem>>
      %dma_start3A = arith.constant 0 : i32
      %dma_start3A_18 = tpu.memref_slice %arg8[%add3A_4, %dma_start3A] : memref<10240x128xf32, #tpu.memory_space<vmem_shared>> -> memref<128x128xf32, #tpu.memory_space<vmem_shared>>
      %dma_start3A_19 = arith.constant 0 : i32
      %dma_start3A_20 = tpu.memref_slice %arg8[%add3A_4, %dma_start3A_19] : memref<10240x128xf32, #tpu.memory_space<vmem_shared>> -> memref<128x128xf32, #tpu.memory_space<vmem_shared>>
      tpu.enqueue_dma source(%arg7 : memref<128x128xf32, #tpu.memory_space<vmem>>) target(%dma_start3A_20 : memref<128x128xf32, #tpu.memory_space<vmem_shared>>) target_semaphore(%run_scoped3A : memref<!tpu.dma_semaphore, #tpu.memory_space<semaphore_mem>>)
      %dma_wait3A = arith.constant 0 : i32
      %dma_wait3A_21 = tpu.memref_slice %arg8[%add3A_4, %dma_wait3A] : memref<10240x128xf32, #tpu.memory_space<vmem_shared>> -> memref<128x128xf32, #tpu.memory_space<vmem_shared>>
      %dma_wait3A_22 = arith.constant 0 : i32
      %dma_wait3A_23 = tpu.memref_slice %arg8[%add3A_4, %dma_wait3A_22] : memref<10240x128xf32, #tpu.memory_space<vmem_shared>> -> memref<128x128xf32, #tpu.memory_space<vmem_shared>>
      tpu.wait_dma2 semaphore(%run_scoped3A : memref<!tpu.dma_semaphore, #tpu.memory_space<semaphore_mem>>) src(%arg7 : memref<128x128xf32, #tpu.memory_space<vmem>>) dst(%dma_wait3A_23 : memref<128x128xf32, #tpu.memory_space<vmem_shared>>)
      tpu.yield
    }) : () -> ()
    %add3A_5 = arith.constant 128 : i32
    %add3A_6 = arith.addi %mul3A_2, %add3A_5 : i32
    "tpu.region"() ({
      %run_scoped3A = tpu.sem_alloc : memref<!tpu.dma_semaphore, #tpu.memory_space<semaphore_mem>>
      %dma_start3A = arith.constant 0 : i32
      %dma_start3A_18 = tpu.memref_slice %arg8[%add3A_6, %dma_start3A] : memref<10240x128xf32, #tpu.memory_space<vmem_shared>> -> memref<128x128xf32, #tpu.memory_space<vmem_shared>>
      %dma_start3A_19 = arith.constant 0 : i32
      %dma_start3A_20 = tpu.memref_slice %arg8[%add3A_6, %dma_start3A_19] : memref<10240x128xf32, #tpu.memory_space<vmem_shared>> -> memref<128x128xf32, #tpu.memory_space<vmem_shared>>
      tpu.enqueue_dma source(%arg7 : memref<128x128xf32, #tpu.memory_space<vmem>>) target(%dma_start3A_20 : memref<128x128xf32, #tpu.memory_space<vmem_shared>>) target_semaphore(%run_scoped3A : memref<!tpu.dma_semaphore, #tpu.memory_space<semaphore_mem>>)
      %dma_wait3A = arith.constant 0 : i32
      %dma_wait3A_21 = tpu.memref_slice %arg8[%add3A_6, %dma_wait3A] : memref<10240x128xf32, #tpu.memory_space<vmem_shared>> -> memref<128x128xf32, #tpu.memory_space<vmem_shared>>
      %dma_wait3A_22 = arith.constant 0 : i32
      %dma_wait3A_23 = tpu.memref_slice %arg8[%add3A_6, %dma_wait3A_22] : memref<10240x128xf32, #tpu.memory_space<vmem_shared>> -> memref<128x128xf32, #tpu.memory_space<vmem_shared>>
      tpu.wait_dma2 semaphore(%run_scoped3A : memref<!tpu.dma_semaphore, #tpu.memory_space<semaphore_mem>>) src(%arg7 : memref<128x128xf32, #tpu.memory_space<vmem>>) dst(%dma_wait3A_23 : memref<128x128xf32, #tpu.memory_space<vmem_shared>>)
      tpu.yield
    }) : () -> ()
    %add3A_7 = arith.constant 256 : i32
    %add3A_8 = arith.addi %mul3A_2, %add3A_7 : i32
    "tpu.region"() ({
      %run_scoped3A = tpu.sem_alloc : memref<!tpu.dma_semaphore, #tpu.memory_space<semaphore_mem>>
      %dma_start3A = arith.constant 0 : i32
      %dma_start3A_18 = tpu.memref_slice %arg8[%add3A_8, %dma_start3A] : memref<10240x128xf32, #tpu.memory_space<vmem_shared>> -> memref<128x128xf32, #tpu.memory_space<vmem_shared>>
      %dma_start3A_19 = arith.constant 0 : i32
      %dma_start3A_20 = tpu.memref_slice %arg8[%add3A_8, %dma_start3A_19] : memref<10240x128xf32, #tpu.memory_space<vmem_shared>> -> memref<128x128xf32, #tpu.memory_space<vmem_shared>>
      tpu.enqueue_dma source(%arg7 : memref<128x128xf32, #tpu.memory_space<vmem>>) target(%dma_start3A_20 : memref<128x128xf32, #tpu.memory_space<vmem_shared>>) target_semaphore(%run_scoped3A : memref<!tpu.dma_semaphore, #tpu.memory_space<semaphore_mem>>)
      %dma_wait3A = arith.constant 0 : i32
      %dma_wait3A_21 = tpu.memref_slice %arg8[%add3A_8, %dma_wait3A] : memref<10240x128xf32, #tpu.memory_space<vmem_shared>> -> memref<128x128xf32, #tpu.memory_space<vmem_shared>>
      %dma_wait3A_22 = arith.constant 0 : i32
      %dma_wait3A_23 = tpu.memref_slice %arg8[%add3A_8, %dma_wait3A_22] : memref<10240x128xf32, #tpu.memory_space<vmem_shared>> -> memref<128x128xf32, #tpu.memory_space<vmem_shared>>
      tpu.wait_dma2 semaphore(%run_scoped3A : memref<!tpu.dma_semaphore, #tpu.memory_space<semaphore_mem>>) src(%arg7 : memref<128x128xf32, #tpu.memory_space<vmem>>) dst(%dma_wait3A_23 : memref<128x128xf32, #tpu.memory_space<vmem_shared>>)
      tpu.yield
    }) : () -> ()
    %add3A_9 = arith.constant 384 : i32
    %add3A_10 = arith.addi %mul3A_2, %add3A_9 : i32
    "tpu.region"() ({
      %run_scoped3A = tpu.sem_alloc : memref<!tpu.dma_semaphore, #tpu.memory_space<semaphore_mem>>
      %dma_start3A = arith.constant 0 : i32
      %dma_start3A_18 = tpu.memref_slice %arg8[%add3A_10, %dma_start3A] : memref<10240x128xf32, #tpu.memory_space<vmem_shared>> -> memref<128x128xf32, #tpu.memory_space<vmem_shared>>
      %dma_start3A_19 = arith.constant 0 : i32
      %dma_start3A_20 = tpu.memref_slice %arg8[%add3A_10, %dma_start3A_19] : memref<10240x128xf32, #tpu.memory_space<vmem_shared>> -> memref<128x128xf32, #tpu.memory_space<vmem_shared>>
      tpu.enqueue_dma source(%arg7 : memref<128x128xf32, #tpu.memory_space<vmem>>) target(%dma_start3A_20 : memref<128x128xf32, #tpu.memory_space<vmem_shared>>) target_semaphore(%run_scoped3A : memref<!tpu.dma_semaphore, #tpu.memory_space<semaphore_mem>>)
      %dma_wait3A = arith.constant 0 : i32
      %dma_wait3A_21 = tpu.memref_slice %arg8[%add3A_10, %dma_wait3A] : memref<10240x128xf32, #tpu.memory_space<vmem_shared>> -> memref<128x128xf32, #tpu.memory_space<vmem_shared>>
      %dma_wait3A_22 = arith.constant 0 : i32
      %dma_wait3A_23 = tpu.memref_slice %arg8[%add3A_10, %dma_wait3A_22] : memref<10240x128xf32, #tpu.memory_space<vmem_shared>> -> memref<128x128xf32, #tpu.memory_space<vmem_shared>>
      tpu.wait_dma2 semaphore(%run_scoped3A : memref<!tpu.dma_semaphore, #tpu.memory_space<semaphore_mem>>) src(%arg7 : memref<128x128xf32, #tpu.memory_space<vmem>>) dst(%dma_wait3A_23 : memref<128x128xf32, #tpu.memory_space<vmem_shared>>)
      tpu.yield
    }) : () -> ()
    %add3A_11 = arith.constant 512 : i32
    %add3A_12 = arith.addi %mul3A_2, %add3A_11 : i32
    "tpu.region"() ({
      %run_scoped3A = tpu.sem_alloc : memref<!tpu.dma_semaphore, #tpu.memory_space<semaphore_mem>>
      %dma_start3A = arith.constant 0 : i32
      %dma_start3A_18 = tpu.memref_slice %arg8[%add3A_12, %dma_start3A] : memref<10240x128xf32, #tpu.memory_space<vmem_shared>> -> memref<128x128xf32, #tpu.memory_space<vmem_shared>>
      %dma_start3A_19 = arith.constant 0 : i32
      %dma_start3A_20 = tpu.memref_slice %arg8[%add3A_12, %dma_start3A_19] : memref<10240x128xf32, #tpu.memory_space<vmem_shared>> -> memref<128x128xf32, #tpu.memory_space<vmem_shared>>
      tpu.enqueue_dma source(%arg7 : memref<128x128xf32, #tpu.memory_space<vmem>>) target(%dma_start3A_20 : memref<128x128xf32, #tpu.memory_space<vmem_shared>>) target_semaphore(%run_scoped3A : memref<!tpu.dma_semaphore, #tpu.memory_space<semaphore_mem>>)
      %dma_wait3A = arith.constant 0 : i32
      %dma_wait3A_21 = tpu.memref_slice %arg8[%add3A_12, %dma_wait3A] : memref<10240x128xf32, #tpu.memory_space<vmem_shared>> -> memref<128x128xf32, #tpu.memory_space<vmem_shared>>
      %dma_wait3A_22 = arith.constant 0 : i32
      %dma_wait3A_23 = tpu.memref_slice %arg8[%add3A_12, %dma_wait3A_22] : memref<10240x128xf32, #tpu.memory_space<vmem_shared>> -> memref<128x128xf32, #tpu.memory_space<vmem_shared>>
      tpu.wait_dma2 semaphore(%run_scoped3A : memref<!tpu.dma_semaphore, #tpu.memory_space<semaphore_mem>>) src(%arg7 : memref<128x128xf32, #tpu.memory_space<vmem>>) dst(%dma_wait3A_23 : memref<128x128xf32, #tpu.memory_space<vmem_shared>>)
      tpu.yield
    }) : () -> ()
    "tpu.region"() ({
      %run_scoped3A = tpu.sem_alloc : memref<!tpu.dma_semaphore, #tpu.memory_space<semaphore_mem>>
      tpu.enqueue_dma source(%arg3 : memref<128x128xf32, #tpu.memory_space<hbm>>) target(%arg7 : memref<128x128xf32, #tpu.memory_space<vmem>>) target_semaphore(%run_scoped3A : memref<!tpu.dma_semaphore, #tpu.memory_space<semaphore_mem>>)
      tpu.wait_dma2 semaphore(%run_scoped3A : memref<!tpu.dma_semaphore, #tpu.memory_space<semaphore_mem>>) src(%arg3 : memref<128x128xf32, #tpu.memory_space<hbm>>) dst(%arg7 : memref<128x128xf32, #tpu.memory_space<vmem>>)
      tpu.yield
    }) : () -> ()
    %barrier3A = arith.constant 0 : index
    tpu.barrier barrier_id(%barrier3A)
    "tpu.region"() ({
      %run_scoped3A = tpu.sem_alloc : memref<!tpu.dma_semaphore, #tpu.memory_space<semaphore_mem>>
      %dma_start3A = arith.constant 0 : i32
      %dma_start3A_18 = arith.constant 0 : i32
      %dma_start3A_19 = tpu.memref_slice %arg2[%add3A, %dma_start3A, %dma_start3A_18] : memref<32x80x128xi32, #tpu.memory_space<hbm>> -> memref<1x80x128xi32, #tpu.memory_space<hbm>>
      %dma_start3A_20 = tpu.memref_squeeze %dma_start3A_19 : memref<1x80x128xi32, #tpu.memory_space<hbm>> -> memref<80x128xi32, #tpu.memory_space<hbm>>
      %dma_start3A_21 = arith.constant 0 : i32
      %dma_start3A_22 = arith.constant 0 : i32
      %dma_start3A_23 = tpu.memref_slice %arg2[%add3A, %dma_start3A_21, %dma_start3A_22] : memref<32x80x128xi32, #tpu.memory_space<hbm>> -> memref<1x80x128xi32, #tpu.memory_space<hbm>>
      %dma_start3A_24 = tpu.memref_squeeze %dma_start3A_23 : memref<1x80x128xi32, #tpu.memory_space<hbm>> -> memref<80x128xi32, #tpu.memory_space<hbm>>
      tpu.enqueue_dma source(%dma_start3A_24 : memref<80x128xi32, #tpu.memory_space<hbm>>) target(%arg6 : memref<80x128xi32, #tpu.memory_space<vmem>>) target_semaphore(%run_scoped3A : memref<!tpu.dma_semaphore, #tpu.memory_space<semaphore_mem>>)
      %dma_wait3A = arith.constant 0 : i32
      %dma_wait3A_25 = arith.constant 0 : i32
      %dma_wait3A_26 = tpu.memref_slice %arg2[%add3A, %dma_wait3A, %dma_wait3A_25] : memref<32x80x128xi32, #tpu.memory_space<hbm>> -> memref<1x80x128xi32, #tpu.memory_space<hbm>>
      %dma_wait3A_27 = tpu.memref_squeeze %dma_wait3A_26 : memref<1x80x128xi32, #tpu.memory_space<hbm>> -> memref<80x128xi32, #tpu.memory_space<hbm>>
      %dma_wait3A_28 = arith.constant 0 : i32
      %dma_wait3A_29 = arith.constant 0 : i32
      %dma_wait3A_30 = tpu.memref_slice %arg2[%add3A, %dma_wait3A_28, %dma_wait3A_29] : memref<32x80x128xi32, #tpu.memory_space<hbm>> -> memref<1x80x128xi32, #tpu.memory_space<hbm>>
      %dma_wait3A_31 = tpu.memref_squeeze %dma_wait3A_30 : memref<1x80x128xi32, #tpu.memory_space<hbm>> -> memref<80x128xi32, #tpu.memory_space<hbm>>
      tpu.wait_dma2 semaphore(%run_scoped3A : memref<!tpu.dma_semaphore, #tpu.memory_space<semaphore_mem>>) src(%dma_wait3A_31 : memref<80x128xi32, #tpu.memory_space<hbm>>) dst(%arg6 : memref<80x128xi32, #tpu.memory_space<vmem>>)
      tpu.yield
    }) : () -> ()
    %scan3A = arith.constant 0 : i32
    %scan3A_13 = arith.constant 80 : i32
    %scan3A_14 = arith.addi %scan3A, %scan3A_13 : i32
    %scan3A_15 = arith.constant 1 : i32
    scf.for %scan3A_18 = %scan3A to %scan3A_14 step %scan3A_15  : i32 {
      %mul3A_19 = arith.constant 1 : i32
      %mul3A_20 = arith.muli %scan3A_18, %mul3A_19 : i32
      %add3A_21 = arith.constant 0 : i32
      %add3A_22 = arith.addi %add3A_21, %mul3A_20 : i32
      "tpu.region"() ({
        %run_scoped3A = tpu.sem_alloc : memref<!tpu.dma_semaphore, #tpu.memory_space<semaphore_mem>>
        %dma_start3A = arith.constant 0 : i32
        %dma_start3A_23 = tpu.memref_slice %arg6[%add3A_22, %dma_start3A] : memref<80x128xi32, #tpu.memory_space<vmem>> -> memref<1x128xi32, #tpu.memory_space<vmem>>
        %dma_start3A_24 = tpu.memref_squeeze %dma_start3A_23 : memref<1x128xi32, #tpu.memory_space<vmem>> -> memref<128xi32, #tpu.memory_space<vmem>>
        %dma_start3A_25 = arith.constant 0 : i32
        %dma_start3A_26 = arith.constant 0 : i32
        %dma_start3A_27 = tpu.memref_slice %arg8[%dma_start3A_25, %dma_start3A_26] : memref<10240x128xf32, #tpu.memory_space<vmem_shared>> -> memref<10240x128xf32, #tpu.memory_space<vmem_shared>>
        tpu.enqueue_indirect_dma source(%arg7 : memref<128x128xf32, #tpu.memory_space<vmem>>) target(%dma_start3A_27 : memref<10240x128xf32, #tpu.memory_space<vmem_shared>>) offsets(%dma_start3A_24 : memref<128xi32, #tpu.memory_space<vmem>>) semaphore(%run_scoped3A : memref<!tpu.dma_semaphore, #tpu.memory_space<semaphore_mem>>) {add = true}
        %dma_wait3A = arith.constant 0 : i32
        %dma_wait3A_28 = tpu.memref_slice %arg6[%add3A_22, %dma_wait3A] : memref<80x128xi32, #tpu.memory_space<vmem>> -> memref<1x128xi32, #tpu.memory_space<vmem>>
        %dma_wait3A_29 = tpu.memref_squeeze %dma_wait3A_28 : memref<1x128xi32, #tpu.memory_space<vmem>> -> memref<128xi32, #tpu.memory_space<vmem>>
        %dma_wait3A_30 = arith.constant 0 : i32
        %dma_wait3A_31 = arith.constant 0 : i32
        %dma_wait3A_32 = tpu.memref_slice %arg8[%dma_wait3A_30, %dma_wait3A_31] : memref<10240x128xf32, #tpu.memory_space<vmem_shared>> -> memref<10240x128xf32, #tpu.memory_space<vmem_shared>>
        tpu.wait_indirect_dma semaphore(%run_scoped3A : memref<!tpu.dma_semaphore, #tpu.memory_space<semaphore_mem>>) src(%arg7 : memref<128x128xf32, #tpu.memory_space<vmem>>) dst(%dma_wait3A_32 : memref<10240x128xf32, #tpu.memory_space<vmem_shared>>)
        tpu.yield
      }) : () -> ()
    }
    %scan3A_16 = arith.constant 80 : i32
    %barrier3A_17 = arith.constant 0 : index
    tpu.barrier barrier_id(%barrier3A_17)
    "tpu.region"() ({
      %run_scoped3A = tpu.sem_alloc : memref<!tpu.dma_semaphore, #tpu.memory_space<semaphore_mem>>
      %dma_start3A = arith.constant 0 : i32
      %dma_start3A_18 = arith.constant 0 : i32
      %dma_start3A_19 = tpu.memref_slice %arg5[%arg0, %dma_start3A, %dma_start3A_18] : memref<2x10240x128xf32, #tpu.memory_space<hbm>> -> memref<1x10240x128xf32, #tpu.memory_space<hbm>>
      %dma_start3A_20 = tpu.memref_squeeze %dma_start3A_19 : memref<1x10240x128xf32, #tpu.memory_space<hbm>> -> memref<10240x128xf32, #tpu.memory_space<hbm>>
      %dma_start3A_21 = arith.constant 0 : i32
      %dma_start3A_22 = tpu.memref_slice %dma_start3A_20[%mul3A_2, %dma_start3A_21] : memref<10240x128xf32, #tpu.memory_space<hbm>> -> memref<640x128xf32, #tpu.memory_space<hbm>>
      %dma_start3A_23 = arith.constant 0 : i32
      %dma_start3A_24 = tpu.memref_slice %arg8[%mul3A_2, %dma_start3A_23] : memref<10240x128xf32, #tpu.memory_space<vmem_shared>> -> memref<640x128xf32, #tpu.memory_space<vmem_shared>>
      tpu.enqueue_dma source(%dma_start3A_24 : memref<640x128xf32, #tpu.memory_space<vmem_shared>>) target(%dma_start3A_22 : memref<640x128xf32, #tpu.memory_space<hbm>>) target_semaphore(%run_scoped3A : memref<!tpu.dma_semaphore, #tpu.memory_space<semaphore_mem>>)
      %dma_wait3A = arith.constant 0 : i32
      %dma_wait3A_25 = arith.constant 0 : i32
      %dma_wait3A_26 = tpu.memref_slice %arg5[%arg0, %dma_wait3A, %dma_wait3A_25] : memref<2x10240x128xf32, #tpu.memory_space<hbm>> -> memref<1x10240x128xf32, #tpu.memory_space<hbm>>
      %dma_wait3A_27 = tpu.memref_squeeze %dma_wait3A_26 : memref<1x10240x128xf32, #tpu.memory_space<hbm>> -> memref<10240x128xf32, #tpu.memory_space<hbm>>
      %dma_wait3A_28 = arith.constant 0 : i32
      %dma_wait3A_29 = tpu.memref_slice %dma_wait3A_27[%mul3A_2, %dma_wait3A_28] : memref<10240x128xf32, #tpu.memory_space<hbm>> -> memref<640x128xf32, #tpu.memory_space<hbm>>
      %dma_wait3A_30 = arith.constant 0 : i32
      %dma_wait3A_31 = tpu.memref_slice %arg8[%mul3A_2, %dma_wait3A_30] : memref<10240x128xf32, #tpu.memory_space<vmem_shared>> -> memref<640x128xf32, #tpu.memory_space<vmem_shared>>
      tpu.wait_dma2 semaphore(%run_scoped3A : memref<!tpu.dma_semaphore, #tpu.memory_space<semaphore_mem>>) src(%dma_wait3A_31 : memref<640x128xf32, #tpu.memory_space<vmem_shared>>) dst(%dma_wait3A_29 : memref<640x128xf32, #tpu.memory_space<hbm>>)
      tpu.yield
    }) : () -> ()
    return
  }
}

#map = affine_map<(d0, d1) -> (0, 0)>
#map1 = affine_map<(d0, d1) -> (0, 0, 0)>
module attributes {stable_mosaic.version = 14 : i64} {
  func.func @_agg_kernel(%arg0: i32, %arg1: i32, %arg2: memref<10240x128xf32, #tpu.memory_space<hbm>>, %arg3: memref<32x80x128xi32, #tpu.memory_space<hbm>>, %arg4: memref<32x80x128xi32, #tpu.memory_space<hbm>>, %arg5: memref<128x128xf32, #tpu.memory_space<hbm>>, %arg6: memref<2x10240x128xf32, #tpu.memory_space<hbm>>, %arg7: memref<40x128xi32, #tpu.memory_space<vmem>>, %arg8: memref<40x128xi32, #tpu.memory_space<vmem>>, %arg9: memref<128x128xf32, #tpu.memory_space<vmem>>, %arg10: memref<128x128xf32, #tpu.memory_space<vmem>>, %arg11: memref<10240x128xf32, #tpu.memory_space<vmem_shared>>, %arg12: memref<!tpu.dma_semaphore, #tpu.memory_space<semaphore_mem>>, %arg13: memref<!tpu.dma_semaphore, #tpu.memory_space<semaphore_mem>>) attributes {dimension_semantics = [#tpu.dimension_semantics<core_parallel>, #tpu.dimension_semantics<subcore_parallel>], iteration_bounds = array<i64: 2, 16>, scalar_prefetch = 0 : i64, scratch_operands = 7 : i64, tpu.core_type = #tpu.core_type<sc_vector_subcore>, window_params = [{transform_indices = #map}, {transform_indices = #map1}, {transform_indices = #map1}, {transform_indices = #map}, {transform_indices = #map1}]} {
    %mul3A = arith.constant 2 : i32
    %mul3A_0 = arith.muli %arg1, %mul3A : i32
    %add3A = arith.addi %mul3A_0, %arg0 : i32
    "tpu.region"() ({
      %run_scoped3A = tpu.sem_alloc : memref<!tpu.dma_semaphore, #tpu.memory_space<semaphore_mem>>
      tpu.enqueue_dma source(%arg5 : memref<128x128xf32, #tpu.memory_space<hbm>>) target(%arg9 : memref<128x128xf32, #tpu.memory_space<vmem>>) target_semaphore(%run_scoped3A : memref<!tpu.dma_semaphore, #tpu.memory_space<semaphore_mem>>)
      tpu.wait_dma2 semaphore(%run_scoped3A : memref<!tpu.dma_semaphore, #tpu.memory_space<semaphore_mem>>) src(%arg5 : memref<128x128xf32, #tpu.memory_space<hbm>>) dst(%arg9 : memref<128x128xf32, #tpu.memory_space<vmem>>)
      tpu.yield
    }) : () -> ()
    %mul3A_1 = arith.constant 640 : i32
    %mul3A_2 = arith.muli %arg1, %mul3A_1 : i32
    %add3A_3 = arith.constant 0 : i32
    %add3A_4 = arith.addi %mul3A_2, %add3A_3 : i32
    "tpu.region"() ({
      %run_scoped3A = tpu.sem_alloc : memref<!tpu.dma_semaphore, #tpu.memory_space<semaphore_mem>>
      %dma_start3A_36 = arith.constant 0 : i32
      %dma_start3A_37 = tpu.memref_slice %arg11[%add3A_4, %dma_start3A_36] : memref<10240x128xf32, #tpu.memory_space<vmem_shared>> -> memref<128x128xf32, #tpu.memory_space<vmem_shared>>
      %dma_start3A_38 = arith.constant 0 : i32
      %dma_start3A_39 = tpu.memref_slice %arg11[%add3A_4, %dma_start3A_38] : memref<10240x128xf32, #tpu.memory_space<vmem_shared>> -> memref<128x128xf32, #tpu.memory_space<vmem_shared>>
      tpu.enqueue_dma source(%arg9 : memref<128x128xf32, #tpu.memory_space<vmem>>) target(%dma_start3A_39 : memref<128x128xf32, #tpu.memory_space<vmem_shared>>) target_semaphore(%run_scoped3A : memref<!tpu.dma_semaphore, #tpu.memory_space<semaphore_mem>>)
      %dma_wait3A = arith.constant 0 : i32
      %dma_wait3A_40 = tpu.memref_slice %arg11[%add3A_4, %dma_wait3A] : memref<10240x128xf32, #tpu.memory_space<vmem_shared>> -> memref<128x128xf32, #tpu.memory_space<vmem_shared>>
      %dma_wait3A_41 = arith.constant 0 : i32
      %dma_wait3A_42 = tpu.memref_slice %arg11[%add3A_4, %dma_wait3A_41] : memref<10240x128xf32, #tpu.memory_space<vmem_shared>> -> memref<128x128xf32, #tpu.memory_space<vmem_shared>>
      tpu.wait_dma2 semaphore(%run_scoped3A : memref<!tpu.dma_semaphore, #tpu.memory_space<semaphore_mem>>) src(%arg9 : memref<128x128xf32, #tpu.memory_space<vmem>>) dst(%dma_wait3A_42 : memref<128x128xf32, #tpu.memory_space<vmem_shared>>)
      tpu.yield
    }) : () -> ()
    %add3A_5 = arith.constant 128 : i32
    %add3A_6 = arith.addi %mul3A_2, %add3A_5 : i32
    "tpu.region"() ({
      %run_scoped3A = tpu.sem_alloc : memref<!tpu.dma_semaphore, #tpu.memory_space<semaphore_mem>>
      %dma_start3A_36 = arith.constant 0 : i32
      %dma_start3A_37 = tpu.memref_slice %arg11[%add3A_6, %dma_start3A_36] : memref<10240x128xf32, #tpu.memory_space<vmem_shared>> -> memref<128x128xf32, #tpu.memory_space<vmem_shared>>
      %dma_start3A_38 = arith.constant 0 : i32
      %dma_start3A_39 = tpu.memref_slice %arg11[%add3A_6, %dma_start3A_38] : memref<10240x128xf32, #tpu.memory_space<vmem_shared>> -> memref<128x128xf32, #tpu.memory_space<vmem_shared>>
      tpu.enqueue_dma source(%arg9 : memref<128x128xf32, #tpu.memory_space<vmem>>) target(%dma_start3A_39 : memref<128x128xf32, #tpu.memory_space<vmem_shared>>) target_semaphore(%run_scoped3A : memref<!tpu.dma_semaphore, #tpu.memory_space<semaphore_mem>>)
      %dma_wait3A = arith.constant 0 : i32
      %dma_wait3A_40 = tpu.memref_slice %arg11[%add3A_6, %dma_wait3A] : memref<10240x128xf32, #tpu.memory_space<vmem_shared>> -> memref<128x128xf32, #tpu.memory_space<vmem_shared>>
      %dma_wait3A_41 = arith.constant 0 : i32
      %dma_wait3A_42 = tpu.memref_slice %arg11[%add3A_6, %dma_wait3A_41] : memref<10240x128xf32, #tpu.memory_space<vmem_shared>> -> memref<128x128xf32, #tpu.memory_space<vmem_shared>>
      tpu.wait_dma2 semaphore(%run_scoped3A : memref<!tpu.dma_semaphore, #tpu.memory_space<semaphore_mem>>) src(%arg9 : memref<128x128xf32, #tpu.memory_space<vmem>>) dst(%dma_wait3A_42 : memref<128x128xf32, #tpu.memory_space<vmem_shared>>)
      tpu.yield
    }) : () -> ()
    %add3A_7 = arith.constant 256 : i32
    %add3A_8 = arith.addi %mul3A_2, %add3A_7 : i32
    "tpu.region"() ({
      %run_scoped3A = tpu.sem_alloc : memref<!tpu.dma_semaphore, #tpu.memory_space<semaphore_mem>>
      %dma_start3A_36 = arith.constant 0 : i32
      %dma_start3A_37 = tpu.memref_slice %arg11[%add3A_8, %dma_start3A_36] : memref<10240x128xf32, #tpu.memory_space<vmem_shared>> -> memref<128x128xf32, #tpu.memory_space<vmem_shared>>
      %dma_start3A_38 = arith.constant 0 : i32
      %dma_start3A_39 = tpu.memref_slice %arg11[%add3A_8, %dma_start3A_38] : memref<10240x128xf32, #tpu.memory_space<vmem_shared>> -> memref<128x128xf32, #tpu.memory_space<vmem_shared>>
      tpu.enqueue_dma source(%arg9 : memref<128x128xf32, #tpu.memory_space<vmem>>) target(%dma_start3A_39 : memref<128x128xf32, #tpu.memory_space<vmem_shared>>) target_semaphore(%run_scoped3A : memref<!tpu.dma_semaphore, #tpu.memory_space<semaphore_mem>>)
      %dma_wait3A = arith.constant 0 : i32
      %dma_wait3A_40 = tpu.memref_slice %arg11[%add3A_8, %dma_wait3A] : memref<10240x128xf32, #tpu.memory_space<vmem_shared>> -> memref<128x128xf32, #tpu.memory_space<vmem_shared>>
      %dma_wait3A_41 = arith.constant 0 : i32
      %dma_wait3A_42 = tpu.memref_slice %arg11[%add3A_8, %dma_wait3A_41] : memref<10240x128xf32, #tpu.memory_space<vmem_shared>> -> memref<128x128xf32, #tpu.memory_space<vmem_shared>>
      tpu.wait_dma2 semaphore(%run_scoped3A : memref<!tpu.dma_semaphore, #tpu.memory_space<semaphore_mem>>) src(%arg9 : memref<128x128xf32, #tpu.memory_space<vmem>>) dst(%dma_wait3A_42 : memref<128x128xf32, #tpu.memory_space<vmem_shared>>)
      tpu.yield
    }) : () -> ()
    %add3A_9 = arith.constant 384 : i32
    %add3A_10 = arith.addi %mul3A_2, %add3A_9 : i32
    "tpu.region"() ({
      %run_scoped3A = tpu.sem_alloc : memref<!tpu.dma_semaphore, #tpu.memory_space<semaphore_mem>>
      %dma_start3A_36 = arith.constant 0 : i32
      %dma_start3A_37 = tpu.memref_slice %arg11[%add3A_10, %dma_start3A_36] : memref<10240x128xf32, #tpu.memory_space<vmem_shared>> -> memref<128x128xf32, #tpu.memory_space<vmem_shared>>
      %dma_start3A_38 = arith.constant 0 : i32
      %dma_start3A_39 = tpu.memref_slice %arg11[%add3A_10, %dma_start3A_38] : memref<10240x128xf32, #tpu.memory_space<vmem_shared>> -> memref<128x128xf32, #tpu.memory_space<vmem_shared>>
      tpu.enqueue_dma source(%arg9 : memref<128x128xf32, #tpu.memory_space<vmem>>) target(%dma_start3A_39 : memref<128x128xf32, #tpu.memory_space<vmem_shared>>) target_semaphore(%run_scoped3A : memref<!tpu.dma_semaphore, #tpu.memory_space<semaphore_mem>>)
      %dma_wait3A = arith.constant 0 : i32
      %dma_wait3A_40 = tpu.memref_slice %arg11[%add3A_10, %dma_wait3A] : memref<10240x128xf32, #tpu.memory_space<vmem_shared>> -> memref<128x128xf32, #tpu.memory_space<vmem_shared>>
      %dma_wait3A_41 = arith.constant 0 : i32
      %dma_wait3A_42 = tpu.memref_slice %arg11[%add3A_10, %dma_wait3A_41] : memref<10240x128xf32, #tpu.memory_space<vmem_shared>> -> memref<128x128xf32, #tpu.memory_space<vmem_shared>>
      tpu.wait_dma2 semaphore(%run_scoped3A : memref<!tpu.dma_semaphore, #tpu.memory_space<semaphore_mem>>) src(%arg9 : memref<128x128xf32, #tpu.memory_space<vmem>>) dst(%dma_wait3A_42 : memref<128x128xf32, #tpu.memory_space<vmem_shared>>)
      tpu.yield
    }) : () -> ()
    %add3A_11 = arith.constant 512 : i32
    %add3A_12 = arith.addi %mul3A_2, %add3A_11 : i32
    "tpu.region"() ({
      %run_scoped3A = tpu.sem_alloc : memref<!tpu.dma_semaphore, #tpu.memory_space<semaphore_mem>>
      %dma_start3A_36 = arith.constant 0 : i32
      %dma_start3A_37 = tpu.memref_slice %arg11[%add3A_12, %dma_start3A_36] : memref<10240x128xf32, #tpu.memory_space<vmem_shared>> -> memref<128x128xf32, #tpu.memory_space<vmem_shared>>
      %dma_start3A_38 = arith.constant 0 : i32
      %dma_start3A_39 = tpu.memref_slice %arg11[%add3A_12, %dma_start3A_38] : memref<10240x128xf32, #tpu.memory_space<vmem_shared>> -> memref<128x128xf32, #tpu.memory_space<vmem_shared>>
      tpu.enqueue_dma source(%arg9 : memref<128x128xf32, #tpu.memory_space<vmem>>) target(%dma_start3A_39 : memref<128x128xf32, #tpu.memory_space<vmem_shared>>) target_semaphore(%run_scoped3A : memref<!tpu.dma_semaphore, #tpu.memory_space<semaphore_mem>>)
      %dma_wait3A = arith.constant 0 : i32
      %dma_wait3A_40 = tpu.memref_slice %arg11[%add3A_12, %dma_wait3A] : memref<10240x128xf32, #tpu.memory_space<vmem_shared>> -> memref<128x128xf32, #tpu.memory_space<vmem_shared>>
      %dma_wait3A_41 = arith.constant 0 : i32
      %dma_wait3A_42 = tpu.memref_slice %arg11[%add3A_12, %dma_wait3A_41] : memref<10240x128xf32, #tpu.memory_space<vmem_shared>> -> memref<128x128xf32, #tpu.memory_space<vmem_shared>>
      tpu.wait_dma2 semaphore(%run_scoped3A : memref<!tpu.dma_semaphore, #tpu.memory_space<semaphore_mem>>) src(%arg9 : memref<128x128xf32, #tpu.memory_space<vmem>>) dst(%dma_wait3A_42 : memref<128x128xf32, #tpu.memory_space<vmem_shared>>)
      tpu.yield
    }) : () -> ()
    %barrier3A = arith.constant 0 : index
    tpu.barrier barrier_id(%barrier3A)
    "tpu.region"() ({
      %run_scoped3A = tpu.sem_alloc : memref<!tpu.dma_semaphore, #tpu.memory_space<semaphore_mem>>
      %dma_start3A_36 = arith.constant 0 : i32
      %dma_start3A_37 = arith.constant 0 : i32
      %dma_start3A_38 = tpu.memref_slice %arg3[%add3A, %dma_start3A_36, %dma_start3A_37] : memref<32x80x128xi32, #tpu.memory_space<hbm>> -> memref<1x80x128xi32, #tpu.memory_space<hbm>>
      %dma_start3A_39 = tpu.memref_squeeze %dma_start3A_38 : memref<1x80x128xi32, #tpu.memory_space<hbm>> -> memref<80x128xi32, #tpu.memory_space<hbm>>
      %dma_start3A_40 = arith.constant 0 : i32
      %dma_start3A_41 = arith.constant 0 : i32
      %dma_start3A_42 = tpu.memref_slice %dma_start3A_39[%dma_start3A_40, %dma_start3A_41] : memref<80x128xi32, #tpu.memory_space<hbm>> -> memref<40x128xi32, #tpu.memory_space<hbm>>
      %dma_start3A_43 = arith.constant 0 : i32
      %dma_start3A_44 = arith.constant 0 : i32
      %dma_start3A_45 = tpu.memref_slice %arg3[%add3A, %dma_start3A_43, %dma_start3A_44] : memref<32x80x128xi32, #tpu.memory_space<hbm>> -> memref<1x80x128xi32, #tpu.memory_space<hbm>>
      %dma_start3A_46 = tpu.memref_squeeze %dma_start3A_45 : memref<1x80x128xi32, #tpu.memory_space<hbm>> -> memref<80x128xi32, #tpu.memory_space<hbm>>
      %dma_start3A_47 = arith.constant 0 : i32
      %dma_start3A_48 = arith.constant 0 : i32
      %dma_start3A_49 = tpu.memref_slice %dma_start3A_46[%dma_start3A_47, %dma_start3A_48] : memref<80x128xi32, #tpu.memory_space<hbm>> -> memref<40x128xi32, #tpu.memory_space<hbm>>
      tpu.enqueue_dma source(%dma_start3A_49 : memref<40x128xi32, #tpu.memory_space<hbm>>) target(%arg7 : memref<40x128xi32, #tpu.memory_space<vmem>>) target_semaphore(%run_scoped3A : memref<!tpu.dma_semaphore, #tpu.memory_space<semaphore_mem>>)
      %dma_wait3A = arith.constant 0 : i32
      %dma_wait3A_50 = arith.constant 0 : i32
      %dma_wait3A_51 = tpu.memref_slice %arg3[%add3A, %dma_wait3A, %dma_wait3A_50] : memref<32x80x128xi32, #tpu.memory_space<hbm>> -> memref<1x80x128xi32, #tpu.memory_space<hbm>>
      %dma_wait3A_52 = tpu.memref_squeeze %dma_wait3A_51 : memref<1x80x128xi32, #tpu.memory_space<hbm>> -> memref<80x128xi32, #tpu.memory_space<hbm>>
      %dma_wait3A_53 = arith.constant 0 : i32
      %dma_wait3A_54 = arith.constant 0 : i32
      %dma_wait3A_55 = tpu.memref_slice %dma_wait3A_52[%dma_wait3A_53, %dma_wait3A_54] : memref<80x128xi32, #tpu.memory_space<hbm>> -> memref<40x128xi32, #tpu.memory_space<hbm>>
      %dma_wait3A_56 = arith.constant 0 : i32
      %dma_wait3A_57 = arith.constant 0 : i32
      %dma_wait3A_58 = tpu.memref_slice %arg3[%add3A, %dma_wait3A_56, %dma_wait3A_57] : memref<32x80x128xi32, #tpu.memory_space<hbm>> -> memref<1x80x128xi32, #tpu.memory_space<hbm>>
      %dma_wait3A_59 = tpu.memref_squeeze %dma_wait3A_58 : memref<1x80x128xi32, #tpu.memory_space<hbm>> -> memref<80x128xi32, #tpu.memory_space<hbm>>
      %dma_wait3A_60 = arith.constant 0 : i32
      %dma_wait3A_61 = arith.constant 0 : i32
      %dma_wait3A_62 = tpu.memref_slice %dma_wait3A_59[%dma_wait3A_60, %dma_wait3A_61] : memref<80x128xi32, #tpu.memory_space<hbm>> -> memref<40x128xi32, #tpu.memory_space<hbm>>
      tpu.wait_dma2 semaphore(%run_scoped3A : memref<!tpu.dma_semaphore, #tpu.memory_space<semaphore_mem>>) src(%dma_wait3A_62 : memref<40x128xi32, #tpu.memory_space<hbm>>) dst(%arg7 : memref<40x128xi32, #tpu.memory_space<vmem>>)
      tpu.yield
    }) : () -> ()
    "tpu.region"() ({
      %run_scoped3A = tpu.sem_alloc : memref<!tpu.dma_semaphore, #tpu.memory_space<semaphore_mem>>
      %dma_start3A_36 = arith.constant 0 : i32
      %dma_start3A_37 = arith.constant 0 : i32
      %dma_start3A_38 = tpu.memref_slice %arg4[%add3A, %dma_start3A_36, %dma_start3A_37] : memref<32x80x128xi32, #tpu.memory_space<hbm>> -> memref<1x80x128xi32, #tpu.memory_space<hbm>>
      %dma_start3A_39 = tpu.memref_squeeze %dma_start3A_38 : memref<1x80x128xi32, #tpu.memory_space<hbm>> -> memref<80x128xi32, #tpu.memory_space<hbm>>
      %dma_start3A_40 = arith.constant 0 : i32
      %dma_start3A_41 = arith.constant 0 : i32
      %dma_start3A_42 = tpu.memref_slice %dma_start3A_39[%dma_start3A_40, %dma_start3A_41] : memref<80x128xi32, #tpu.memory_space<hbm>> -> memref<40x128xi32, #tpu.memory_space<hbm>>
      %dma_start3A_43 = arith.constant 0 : i32
      %dma_start3A_44 = arith.constant 0 : i32
      %dma_start3A_45 = tpu.memref_slice %arg4[%add3A, %dma_start3A_43, %dma_start3A_44] : memref<32x80x128xi32, #tpu.memory_space<hbm>> -> memref<1x80x128xi32, #tpu.memory_space<hbm>>
      %dma_start3A_46 = tpu.memref_squeeze %dma_start3A_45 : memref<1x80x128xi32, #tpu.memory_space<hbm>> -> memref<80x128xi32, #tpu.memory_space<hbm>>
      %dma_start3A_47 = arith.constant 0 : i32
      %dma_start3A_48 = arith.constant 0 : i32
      %dma_start3A_49 = tpu.memref_slice %dma_start3A_46[%dma_start3A_47, %dma_start3A_48] : memref<80x128xi32, #tpu.memory_space<hbm>> -> memref<40x128xi32, #tpu.memory_space<hbm>>
      tpu.enqueue_dma source(%dma_start3A_49 : memref<40x128xi32, #tpu.memory_space<hbm>>) target(%arg8 : memref<40x128xi32, #tpu.memory_space<vmem>>) target_semaphore(%run_scoped3A : memref<!tpu.dma_semaphore, #tpu.memory_space<semaphore_mem>>)
      %dma_wait3A = arith.constant 0 : i32
      %dma_wait3A_50 = arith.constant 0 : i32
      %dma_wait3A_51 = tpu.memref_slice %arg4[%add3A, %dma_wait3A, %dma_wait3A_50] : memref<32x80x128xi32, #tpu.memory_space<hbm>> -> memref<1x80x128xi32, #tpu.memory_space<hbm>>
      %dma_wait3A_52 = tpu.memref_squeeze %dma_wait3A_51 : memref<1x80x128xi32, #tpu.memory_space<hbm>> -> memref<80x128xi32, #tpu.memory_space<hbm>>
      %dma_wait3A_53 = arith.constant 0 : i32
      %dma_wait3A_54 = arith.constant 0 : i32
      %dma_wait3A_55 = tpu.memref_slice %dma_wait3A_52[%dma_wait3A_53, %dma_wait3A_54] : memref<80x128xi32, #tpu.memory_space<hbm>> -> memref<40x128xi32, #tpu.memory_space<hbm>>
      %dma_wait3A_56 = arith.constant 0 : i32
      %dma_wait3A_57 = arith.constant 0 : i32
      %dma_wait3A_58 = tpu.memref_slice %arg4[%add3A, %dma_wait3A_56, %dma_wait3A_57] : memref<32x80x128xi32, #tpu.memory_space<hbm>> -> memref<1x80x128xi32, #tpu.memory_space<hbm>>
      %dma_wait3A_59 = tpu.memref_squeeze %dma_wait3A_58 : memref<1x80x128xi32, #tpu.memory_space<hbm>> -> memref<80x128xi32, #tpu.memory_space<hbm>>
      %dma_wait3A_60 = arith.constant 0 : i32
      %dma_wait3A_61 = arith.constant 0 : i32
      %dma_wait3A_62 = tpu.memref_slice %dma_wait3A_59[%dma_wait3A_60, %dma_wait3A_61] : memref<80x128xi32, #tpu.memory_space<hbm>> -> memref<40x128xi32, #tpu.memory_space<hbm>>
      tpu.wait_dma2 semaphore(%run_scoped3A : memref<!tpu.dma_semaphore, #tpu.memory_space<semaphore_mem>>) src(%dma_wait3A_62 : memref<40x128xi32, #tpu.memory_space<hbm>>) dst(%arg8 : memref<40x128xi32, #tpu.memory_space<vmem>>)
      tpu.yield
    }) : () -> ()
    %dma_start3A = arith.constant 0 : i32
    %dma_start3A_13 = arith.constant 0 : i32
    %dma_start3A_14 = tpu.memref_slice %arg7[%dma_start3A, %dma_start3A_13] : memref<40x128xi32, #tpu.memory_space<vmem>> -> memref<1x128xi32, #tpu.memory_space<vmem>>
    %dma_start3A_15 = tpu.memref_squeeze %dma_start3A_14 : memref<1x128xi32, #tpu.memory_space<vmem>> -> memref<128xi32, #tpu.memory_space<vmem>>
    %dma_start3A_16 = arith.constant 0 : i32
    %dma_start3A_17 = arith.constant 0 : i32
    %dma_start3A_18 = tpu.memref_slice %arg2[%dma_start3A_16, %dma_start3A_17] : memref<10240x128xf32, #tpu.memory_space<hbm>> -> memref<10240x128xf32, #tpu.memory_space<hbm>>
    tpu.enqueue_indirect_dma source(%dma_start3A_18 : memref<10240x128xf32, #tpu.memory_space<hbm>>) target(%arg9 : memref<128x128xf32, #tpu.memory_space<vmem>>) offsets(%dma_start3A_15 : memref<128xi32, #tpu.memory_space<vmem>>) semaphore(%arg12 : memref<!tpu.dma_semaphore, #tpu.memory_space<semaphore_mem>>)
    %scan3A = arith.constant 0 : i32
    %scan3A_19 = arith.constant 20 : i32
    %scan3A_20 = arith.addi %scan3A, %scan3A_19 : i32
    %scan3A_21 = arith.constant 1 : i32
    scf.for %scan3A_36 = %scan3A to %scan3A_20 step %scan3A_21  : i32 {
      %mul3A_37 = arith.constant 2 : i32
      %mul3A_38 = arith.muli %scan3A_36, %mul3A_37 : i32
      %add3A_39 = arith.constant 0 : i32
      %add3A_40 = arith.addi %add3A_39, %mul3A_38 : i32
      %add3A_41 = arith.constant 1 : i32
      %add3A_42 = arith.addi %add3A_40, %add3A_41 : i32
      %dma_start3A_43 = arith.constant 0 : i32
      %dma_start3A_44 = tpu.memref_slice %arg7[%add3A_42, %dma_start3A_43] : memref<40x128xi32, #tpu.memory_space<vmem>> -> memref<1x128xi32, #tpu.memory_space<vmem>>
      %dma_start3A_45 = tpu.memref_squeeze %dma_start3A_44 : memref<1x128xi32, #tpu.memory_space<vmem>> -> memref<128xi32, #tpu.memory_space<vmem>>
      %dma_start3A_46 = arith.constant 0 : i32
      %dma_start3A_47 = arith.constant 0 : i32
      %dma_start3A_48 = tpu.memref_slice %arg2[%dma_start3A_46, %dma_start3A_47] : memref<10240x128xf32, #tpu.memory_space<hbm>> -> memref<10240x128xf32, #tpu.memory_space<hbm>>
      tpu.enqueue_indirect_dma source(%dma_start3A_48 : memref<10240x128xf32, #tpu.memory_space<hbm>>) target(%arg10 : memref<128x128xf32, #tpu.memory_space<vmem>>) offsets(%dma_start3A_45 : memref<128xi32, #tpu.memory_space<vmem>>) semaphore(%arg13 : memref<!tpu.dma_semaphore, #tpu.memory_space<semaphore_mem>>)
      %dma_wait3A = arith.constant 0 : i32
      %dma_wait3A_49 = tpu.memref_slice %arg7[%add3A_40, %dma_wait3A] : memref<40x128xi32, #tpu.memory_space<vmem>> -> memref<1x128xi32, #tpu.memory_space<vmem>>
      %dma_wait3A_50 = tpu.memref_squeeze %dma_wait3A_49 : memref<1x128xi32, #tpu.memory_space<vmem>> -> memref<128xi32, #tpu.memory_space<vmem>>
      %dma_wait3A_51 = arith.constant 0 : i32
      %dma_wait3A_52 = arith.constant 0 : i32
      %dma_wait3A_53 = tpu.memref_slice %arg2[%dma_wait3A_51, %dma_wait3A_52] : memref<10240x128xf32, #tpu.memory_space<hbm>> -> memref<10240x128xf32, #tpu.memory_space<hbm>>
      tpu.wait_indirect_dma semaphore(%arg12 : memref<!tpu.dma_semaphore, #tpu.memory_space<semaphore_mem>>) src(%dma_wait3A_53 : memref<10240x128xf32, #tpu.memory_space<hbm>>) dst(%arg9 : memref<128x128xf32, #tpu.memory_space<vmem>>)
      "tpu.region"() ({
        %run_scoped3A = tpu.sem_alloc : memref<!tpu.dma_semaphore, #tpu.memory_space<semaphore_mem>>
        %dma_start3A_68 = arith.constant 0 : i32
        %dma_start3A_69 = tpu.memref_slice %arg8[%add3A_40, %dma_start3A_68] : memref<40x128xi32, #tpu.memory_space<vmem>> -> memref<1x128xi32, #tpu.memory_space<vmem>>
        %dma_start3A_70 = tpu.memref_squeeze %dma_start3A_69 : memref<1x128xi32, #tpu.memory_space<vmem>> -> memref<128xi32, #tpu.memory_space<vmem>>
        %dma_start3A_71 = arith.constant 0 : i32
        %dma_start3A_72 = arith.constant 0 : i32
        %dma_start3A_73 = tpu.memref_slice %arg11[%dma_start3A_71, %dma_start3A_72] : memref<10240x128xf32, #tpu.memory_space<vmem_shared>> -> memref<10240x128xf32, #tpu.memory_space<vmem_shared>>
        tpu.enqueue_indirect_dma source(%arg9 : memref<128x128xf32, #tpu.memory_space<vmem>>) target(%dma_start3A_73 : memref<10240x128xf32, #tpu.memory_space<vmem_shared>>) offsets(%dma_start3A_70 : memref<128xi32, #tpu.memory_space<vmem>>) semaphore(%run_scoped3A : memref<!tpu.dma_semaphore, #tpu.memory_space<semaphore_mem>>) {add = true}
        %dma_wait3A_74 = arith.constant 0 : i32
        %dma_wait3A_75 = tpu.memref_slice %arg8[%add3A_40, %dma_wait3A_74] : memref<40x128xi32, #tpu.memory_space<vmem>> -> memref<1x128xi32, #tpu.memory_space<vmem>>
        %dma_wait3A_76 = tpu.memref_squeeze %dma_wait3A_75 : memref<1x128xi32, #tpu.memory_space<vmem>> -> memref<128xi32, #tpu.memory_space<vmem>>
        %dma_wait3A_77 = arith.constant 0 : i32
        %dma_wait3A_78 = arith.constant 0 : i32
        %dma_wait3A_79 = tpu.memref_slice %arg11[%dma_wait3A_77, %dma_wait3A_78] : memref<10240x128xf32, #tpu.memory_space<vmem_shared>> -> memref<10240x128xf32, #tpu.memory_space<vmem_shared>>
        tpu.wait_indirect_dma semaphore(%run_scoped3A : memref<!tpu.dma_semaphore, #tpu.memory_space<semaphore_mem>>) src(%arg9 : memref<128x128xf32, #tpu.memory_space<vmem>>) dst(%dma_wait3A_79 : memref<10240x128xf32, #tpu.memory_space<vmem_shared>>)
        tpu.yield
      }) : () -> ()
      %add3A_54 = arith.constant 2 : i32
      %add3A_55 = arith.addi %add3A_40, %add3A_54 : i32
      %lt3A = arith.constant 40 : i32
      %lt3A_56 = arith.cmpi slt, %add3A_55, %lt3A : i32
      %convert_element_type3A = arith.extui %lt3A_56 : i1 to i32
      %cond3A = arith.constant 0 : i32
      %cond3A_57 = arith.cmpi ne, %convert_element_type3A, %cond3A : i32
      scf.if %cond3A_57 {
        %add3A_68 = arith.constant 2 : i32
        %add3A_69 = arith.addi %add3A_40, %add3A_68 : i32
        %dma_start3A_70 = arith.constant 0 : i32
        %dma_start3A_71 = tpu.memref_slice %arg7[%add3A_69, %dma_start3A_70] : memref<40x128xi32, #tpu.memory_space<vmem>> -> memref<1x128xi32, #tpu.memory_space<vmem>>
        %dma_start3A_72 = tpu.memref_squeeze %dma_start3A_71 : memref<1x128xi32, #tpu.memory_space<vmem>> -> memref<128xi32, #tpu.memory_space<vmem>>
        %dma_start3A_73 = arith.constant 0 : i32
        %dma_start3A_74 = arith.constant 0 : i32
        %dma_start3A_75 = tpu.memref_slice %arg2[%dma_start3A_73, %dma_start3A_74] : memref<10240x128xf32, #tpu.memory_space<hbm>> -> memref<10240x128xf32, #tpu.memory_space<hbm>>
        tpu.enqueue_indirect_dma source(%dma_start3A_75 : memref<10240x128xf32, #tpu.memory_space<hbm>>) target(%arg9 : memref<128x128xf32, #tpu.memory_space<vmem>>) offsets(%dma_start3A_72 : memref<128xi32, #tpu.memory_space<vmem>>) semaphore(%arg12 : memref<!tpu.dma_semaphore, #tpu.memory_space<semaphore_mem>>)
      } else {
      }
      %add3A_58 = arith.constant 1 : i32
      %add3A_59 = arith.addi %add3A_40, %add3A_58 : i32
      %dma_wait3A_60 = arith.constant 0 : i32
      %dma_wait3A_61 = tpu.memref_slice %arg7[%add3A_59, %dma_wait3A_60] : memref<40x128xi32, #tpu.memory_space<vmem>> -> memref<1x128xi32, #tpu.memory_space<vmem>>
      %dma_wait3A_62 = tpu.memref_squeeze %dma_wait3A_61 : memref<1x128xi32, #tpu.memory_space<vmem>> -> memref<128xi32, #tpu.memory_space<vmem>>
      %dma_wait3A_63 = arith.constant 0 : i32
      %dma_wait3A_64 = arith.constant 0 : i32
      %dma_wait3A_65 = tpu.memref_slice %arg2[%dma_wait3A_63, %dma_wait3A_64] : memref<10240x128xf32, #tpu.memory_space<hbm>> -> memref<10240x128xf32, #tpu.memory_space<hbm>>
      tpu.wait_indirect_dma semaphore(%arg13 : memref<!tpu.dma_semaphore, #tpu.memory_space<semaphore_mem>>) src(%dma_wait3A_65 : memref<10240x128xf32, #tpu.memory_space<hbm>>) dst(%arg10 : memref<128x128xf32, #tpu.memory_space<vmem>>)
      %add3A_66 = arith.constant 1 : i32
      %add3A_67 = arith.addi %add3A_40, %add3A_66 : i32
      "tpu.region"() ({
        %run_scoped3A = tpu.sem_alloc : memref<!tpu.dma_semaphore, #tpu.memory_space<semaphore_mem>>
        %dma_start3A_68 = arith.constant 0 : i32
        %dma_start3A_69 = tpu.memref_slice %arg8[%add3A_67, %dma_start3A_68] : memref<40x128xi32, #tpu.memory_space<vmem>> -> memref<1x128xi32, #tpu.memory_space<vmem>>
        %dma_start3A_70 = tpu.memref_squeeze %dma_start3A_69 : memref<1x128xi32, #tpu.memory_space<vmem>> -> memref<128xi32, #tpu.memory_space<vmem>>
        %dma_start3A_71 = arith.constant 0 : i32
        %dma_start3A_72 = arith.constant 0 : i32
        %dma_start3A_73 = tpu.memref_slice %arg11[%dma_start3A_71, %dma_start3A_72] : memref<10240x128xf32, #tpu.memory_space<vmem_shared>> -> memref<10240x128xf32, #tpu.memory_space<vmem_shared>>
        tpu.enqueue_indirect_dma source(%arg10 : memref<128x128xf32, #tpu.memory_space<vmem>>) target(%dma_start3A_73 : memref<10240x128xf32, #tpu.memory_space<vmem_shared>>) offsets(%dma_start3A_70 : memref<128xi32, #tpu.memory_space<vmem>>) semaphore(%run_scoped3A : memref<!tpu.dma_semaphore, #tpu.memory_space<semaphore_mem>>) {add = true}
        %dma_wait3A_74 = arith.constant 0 : i32
        %dma_wait3A_75 = tpu.memref_slice %arg8[%add3A_67, %dma_wait3A_74] : memref<40x128xi32, #tpu.memory_space<vmem>> -> memref<1x128xi32, #tpu.memory_space<vmem>>
        %dma_wait3A_76 = tpu.memref_squeeze %dma_wait3A_75 : memref<1x128xi32, #tpu.memory_space<vmem>> -> memref<128xi32, #tpu.memory_space<vmem>>
        %dma_wait3A_77 = arith.constant 0 : i32
        %dma_wait3A_78 = arith.constant 0 : i32
        %dma_wait3A_79 = tpu.memref_slice %arg11[%dma_wait3A_77, %dma_wait3A_78] : memref<10240x128xf32, #tpu.memory_space<vmem_shared>> -> memref<10240x128xf32, #tpu.memory_space<vmem_shared>>
        tpu.wait_indirect_dma semaphore(%run_scoped3A : memref<!tpu.dma_semaphore, #tpu.memory_space<semaphore_mem>>) src(%arg10 : memref<128x128xf32, #tpu.memory_space<vmem>>) dst(%dma_wait3A_79 : memref<10240x128xf32, #tpu.memory_space<vmem_shared>>)
        tpu.yield
      }) : () -> ()
    }
    %scan3A_22 = arith.constant 20 : i32
    "tpu.region"() ({
      %run_scoped3A = tpu.sem_alloc : memref<!tpu.dma_semaphore, #tpu.memory_space<semaphore_mem>>
      %dma_start3A_36 = arith.constant 0 : i32
      %dma_start3A_37 = arith.constant 0 : i32
      %dma_start3A_38 = tpu.memref_slice %arg3[%add3A, %dma_start3A_36, %dma_start3A_37] : memref<32x80x128xi32, #tpu.memory_space<hbm>> -> memref<1x80x128xi32, #tpu.memory_space<hbm>>
      %dma_start3A_39 = tpu.memref_squeeze %dma_start3A_38 : memref<1x80x128xi32, #tpu.memory_space<hbm>> -> memref<80x128xi32, #tpu.memory_space<hbm>>
      %dma_start3A_40 = arith.constant 40 : i32
      %dma_start3A_41 = arith.constant 0 : i32
      %dma_start3A_42 = tpu.memref_slice %dma_start3A_39[%dma_start3A_40, %dma_start3A_41] : memref<80x128xi32, #tpu.memory_space<hbm>> -> memref<40x128xi32, #tpu.memory_space<hbm>>
      %dma_start3A_43 = arith.constant 0 : i32
      %dma_start3A_44 = arith.constant 0 : i32
      %dma_start3A_45 = tpu.memref_slice %arg3[%add3A, %dma_start3A_43, %dma_start3A_44] : memref<32x80x128xi32, #tpu.memory_space<hbm>> -> memref<1x80x128xi32, #tpu.memory_space<hbm>>
      %dma_start3A_46 = tpu.memref_squeeze %dma_start3A_45 : memref<1x80x128xi32, #tpu.memory_space<hbm>> -> memref<80x128xi32, #tpu.memory_space<hbm>>
      %dma_start3A_47 = arith.constant 40 : i32
      %dma_start3A_48 = arith.constant 0 : i32
      %dma_start3A_49 = tpu.memref_slice %dma_start3A_46[%dma_start3A_47, %dma_start3A_48] : memref<80x128xi32, #tpu.memory_space<hbm>> -> memref<40x128xi32, #tpu.memory_space<hbm>>
      tpu.enqueue_dma source(%dma_start3A_49 : memref<40x128xi32, #tpu.memory_space<hbm>>) target(%arg7 : memref<40x128xi32, #tpu.memory_space<vmem>>) target_semaphore(%run_scoped3A : memref<!tpu.dma_semaphore, #tpu.memory_space<semaphore_mem>>)
      %dma_wait3A = arith.constant 0 : i32
      %dma_wait3A_50 = arith.constant 0 : i32
      %dma_wait3A_51 = tpu.memref_slice %arg3[%add3A, %dma_wait3A, %dma_wait3A_50] : memref<32x80x128xi32, #tpu.memory_space<hbm>> -> memref<1x80x128xi32, #tpu.memory_space<hbm>>
      %dma_wait3A_52 = tpu.memref_squeeze %dma_wait3A_51 : memref<1x80x128xi32, #tpu.memory_space<hbm>> -> memref<80x128xi32, #tpu.memory_space<hbm>>
      %dma_wait3A_53 = arith.constant 40 : i32
      %dma_wait3A_54 = arith.constant 0 : i32
      %dma_wait3A_55 = tpu.memref_slice %dma_wait3A_52[%dma_wait3A_53, %dma_wait3A_54] : memref<80x128xi32, #tpu.memory_space<hbm>> -> memref<40x128xi32, #tpu.memory_space<hbm>>
      %dma_wait3A_56 = arith.constant 0 : i32
      %dma_wait3A_57 = arith.constant 0 : i32
      %dma_wait3A_58 = tpu.memref_slice %arg3[%add3A, %dma_wait3A_56, %dma_wait3A_57] : memref<32x80x128xi32, #tpu.memory_space<hbm>> -> memref<1x80x128xi32, #tpu.memory_space<hbm>>
      %dma_wait3A_59 = tpu.memref_squeeze %dma_wait3A_58 : memref<1x80x128xi32, #tpu.memory_space<hbm>> -> memref<80x128xi32, #tpu.memory_space<hbm>>
      %dma_wait3A_60 = arith.constant 40 : i32
      %dma_wait3A_61 = arith.constant 0 : i32
      %dma_wait3A_62 = tpu.memref_slice %dma_wait3A_59[%dma_wait3A_60, %dma_wait3A_61] : memref<80x128xi32, #tpu.memory_space<hbm>> -> memref<40x128xi32, #tpu.memory_space<hbm>>
      tpu.wait_dma2 semaphore(%run_scoped3A : memref<!tpu.dma_semaphore, #tpu.memory_space<semaphore_mem>>) src(%dma_wait3A_62 : memref<40x128xi32, #tpu.memory_space<hbm>>) dst(%arg7 : memref<40x128xi32, #tpu.memory_space<vmem>>)
      tpu.yield
    }) : () -> ()
    "tpu.region"() ({
      %run_scoped3A = tpu.sem_alloc : memref<!tpu.dma_semaphore, #tpu.memory_space<semaphore_mem>>
      %dma_start3A_36 = arith.constant 0 : i32
      %dma_start3A_37 = arith.constant 0 : i32
      %dma_start3A_38 = tpu.memref_slice %arg4[%add3A, %dma_start3A_36, %dma_start3A_37] : memref<32x80x128xi32, #tpu.memory_space<hbm>> -> memref<1x80x128xi32, #tpu.memory_space<hbm>>
      %dma_start3A_39 = tpu.memref_squeeze %dma_start3A_38 : memref<1x80x128xi32, #tpu.memory_space<hbm>> -> memref<80x128xi32, #tpu.memory_space<hbm>>
      %dma_start3A_40 = arith.constant 40 : i32
      %dma_start3A_41 = arith.constant 0 : i32
      %dma_start3A_42 = tpu.memref_slice %dma_start3A_39[%dma_start3A_40, %dma_start3A_41] : memref<80x128xi32, #tpu.memory_space<hbm>> -> memref<40x128xi32, #tpu.memory_space<hbm>>
      %dma_start3A_43 = arith.constant 0 : i32
      %dma_start3A_44 = arith.constant 0 : i32
      %dma_start3A_45 = tpu.memref_slice %arg4[%add3A, %dma_start3A_43, %dma_start3A_44] : memref<32x80x128xi32, #tpu.memory_space<hbm>> -> memref<1x80x128xi32, #tpu.memory_space<hbm>>
      %dma_start3A_46 = tpu.memref_squeeze %dma_start3A_45 : memref<1x80x128xi32, #tpu.memory_space<hbm>> -> memref<80x128xi32, #tpu.memory_space<hbm>>
      %dma_start3A_47 = arith.constant 40 : i32
      %dma_start3A_48 = arith.constant 0 : i32
      %dma_start3A_49 = tpu.memref_slice %dma_start3A_46[%dma_start3A_47, %dma_start3A_48] : memref<80x128xi32, #tpu.memory_space<hbm>> -> memref<40x128xi32, #tpu.memory_space<hbm>>
      tpu.enqueue_dma source(%dma_start3A_49 : memref<40x128xi32, #tpu.memory_space<hbm>>) target(%arg8 : memref<40x128xi32, #tpu.memory_space<vmem>>) target_semaphore(%run_scoped3A : memref<!tpu.dma_semaphore, #tpu.memory_space<semaphore_mem>>)
      %dma_wait3A = arith.constant 0 : i32
      %dma_wait3A_50 = arith.constant 0 : i32
      %dma_wait3A_51 = tpu.memref_slice %arg4[%add3A, %dma_wait3A, %dma_wait3A_50] : memref<32x80x128xi32, #tpu.memory_space<hbm>> -> memref<1x80x128xi32, #tpu.memory_space<hbm>>
      %dma_wait3A_52 = tpu.memref_squeeze %dma_wait3A_51 : memref<1x80x128xi32, #tpu.memory_space<hbm>> -> memref<80x128xi32, #tpu.memory_space<hbm>>
      %dma_wait3A_53 = arith.constant 40 : i32
      %dma_wait3A_54 = arith.constant 0 : i32
      %dma_wait3A_55 = tpu.memref_slice %dma_wait3A_52[%dma_wait3A_53, %dma_wait3A_54] : memref<80x128xi32, #tpu.memory_space<hbm>> -> memref<40x128xi32, #tpu.memory_space<hbm>>
      %dma_wait3A_56 = arith.constant 0 : i32
      %dma_wait3A_57 = arith.constant 0 : i32
      %dma_wait3A_58 = tpu.memref_slice %arg4[%add3A, %dma_wait3A_56, %dma_wait3A_57] : memref<32x80x128xi32, #tpu.memory_space<hbm>> -> memref<1x80x128xi32, #tpu.memory_space<hbm>>
      %dma_wait3A_59 = tpu.memref_squeeze %dma_wait3A_58 : memref<1x80x128xi32, #tpu.memory_space<hbm>> -> memref<80x128xi32, #tpu.memory_space<hbm>>
      %dma_wait3A_60 = arith.constant 40 : i32
      %dma_wait3A_61 = arith.constant 0 : i32
      %dma_wait3A_62 = tpu.memref_slice %dma_wait3A_59[%dma_wait3A_60, %dma_wait3A_61] : memref<80x128xi32, #tpu.memory_space<hbm>> -> memref<40x128xi32, #tpu.memory_space<hbm>>
      tpu.wait_dma2 semaphore(%run_scoped3A : memref<!tpu.dma_semaphore, #tpu.memory_space<semaphore_mem>>) src(%dma_wait3A_62 : memref<40x128xi32, #tpu.memory_space<hbm>>) dst(%arg8 : memref<40x128xi32, #tpu.memory_space<vmem>>)
      tpu.yield
    }) : () -> ()
    %dma_start3A_23 = arith.constant 0 : i32
    %dma_start3A_24 = arith.constant 0 : i32
    %dma_start3A_25 = tpu.memref_slice %arg7[%dma_start3A_23, %dma_start3A_24] : memref<40x128xi32, #tpu.memory_space<vmem>> -> memref<1x128xi32, #tpu.memory_space<vmem>>
    %dma_start3A_26 = tpu.memref_squeeze %dma_start3A_25 : memref<1x128xi32, #tpu.memory_space<vmem>> -> memref<128xi32, #tpu.memory_space<vmem>>
    %dma_start3A_27 = arith.constant 0 : i32
    %dma_start3A_28 = arith.constant 0 : i32
    %dma_start3A_29 = tpu.memref_slice %arg2[%dma_start3A_27, %dma_start3A_28] : memref<10240x128xf32, #tpu.memory_space<hbm>> -> memref<10240x128xf32, #tpu.memory_space<hbm>>
    tpu.enqueue_indirect_dma source(%dma_start3A_29 : memref<10240x128xf32, #tpu.memory_space<hbm>>) target(%arg9 : memref<128x128xf32, #tpu.memory_space<vmem>>) offsets(%dma_start3A_26 : memref<128xi32, #tpu.memory_space<vmem>>) semaphore(%arg12 : memref<!tpu.dma_semaphore, #tpu.memory_space<semaphore_mem>>)
    %scan3A_30 = arith.constant 0 : i32
    %scan3A_31 = arith.constant 20 : i32
    %scan3A_32 = arith.addi %scan3A_30, %scan3A_31 : i32
    %scan3A_33 = arith.constant 1 : i32
    scf.for %scan3A_36 = %scan3A_30 to %scan3A_32 step %scan3A_33  : i32 {
      %mul3A_37 = arith.constant 2 : i32
      %mul3A_38 = arith.muli %scan3A_36, %mul3A_37 : i32
      %add3A_39 = arith.constant 0 : i32
      %add3A_40 = arith.addi %add3A_39, %mul3A_38 : i32
      %add3A_41 = arith.constant 1 : i32
      %add3A_42 = arith.addi %add3A_40, %add3A_41 : i32
      %dma_start3A_43 = arith.constant 0 : i32
      %dma_start3A_44 = tpu.memref_slice %arg7[%add3A_42, %dma_start3A_43] : memref<40x128xi32, #tpu.memory_space<vmem>> -> memref<1x128xi32, #tpu.memory_space<vmem>>
      %dma_start3A_45 = tpu.memref_squeeze %dma_start3A_44 : memref<1x128xi32, #tpu.memory_space<vmem>> -> memref<128xi32, #tpu.memory_space<vmem>>
      %dma_start3A_46 = arith.constant 0 : i32
      %dma_start3A_47 = arith.constant 0 : i32
      %dma_start3A_48 = tpu.memref_slice %arg2[%dma_start3A_46, %dma_start3A_47] : memref<10240x128xf32, #tpu.memory_space<hbm>> -> memref<10240x128xf32, #tpu.memory_space<hbm>>
      tpu.enqueue_indirect_dma source(%dma_start3A_48 : memref<10240x128xf32, #tpu.memory_space<hbm>>) target(%arg10 : memref<128x128xf32, #tpu.memory_space<vmem>>) offsets(%dma_start3A_45 : memref<128xi32, #tpu.memory_space<vmem>>) semaphore(%arg13 : memref<!tpu.dma_semaphore, #tpu.memory_space<semaphore_mem>>)
      %dma_wait3A = arith.constant 0 : i32
      %dma_wait3A_49 = tpu.memref_slice %arg7[%add3A_40, %dma_wait3A] : memref<40x128xi32, #tpu.memory_space<vmem>> -> memref<1x128xi32, #tpu.memory_space<vmem>>
      %dma_wait3A_50 = tpu.memref_squeeze %dma_wait3A_49 : memref<1x128xi32, #tpu.memory_space<vmem>> -> memref<128xi32, #tpu.memory_space<vmem>>
      %dma_wait3A_51 = arith.constant 0 : i32
      %dma_wait3A_52 = arith.constant 0 : i32
      %dma_wait3A_53 = tpu.memref_slice %arg2[%dma_wait3A_51, %dma_wait3A_52] : memref<10240x128xf32, #tpu.memory_space<hbm>> -> memref<10240x128xf32, #tpu.memory_space<hbm>>
      tpu.wait_indirect_dma semaphore(%arg12 : memref<!tpu.dma_semaphore, #tpu.memory_space<semaphore_mem>>) src(%dma_wait3A_53 : memref<10240x128xf32, #tpu.memory_space<hbm>>) dst(%arg9 : memref<128x128xf32, #tpu.memory_space<vmem>>)
      "tpu.region"() ({
        %run_scoped3A = tpu.sem_alloc : memref<!tpu.dma_semaphore, #tpu.memory_space<semaphore_mem>>
        %dma_start3A_68 = arith.constant 0 : i32
        %dma_start3A_69 = tpu.memref_slice %arg8[%add3A_40, %dma_start3A_68] : memref<40x128xi32, #tpu.memory_space<vmem>> -> memref<1x128xi32, #tpu.memory_space<vmem>>
        %dma_start3A_70 = tpu.memref_squeeze %dma_start3A_69 : memref<1x128xi32, #tpu.memory_space<vmem>> -> memref<128xi32, #tpu.memory_space<vmem>>
        %dma_start3A_71 = arith.constant 0 : i32
        %dma_start3A_72 = arith.constant 0 : i32
        %dma_start3A_73 = tpu.memref_slice %arg11[%dma_start3A_71, %dma_start3A_72] : memref<10240x128xf32, #tpu.memory_space<vmem_shared>> -> memref<10240x128xf32, #tpu.memory_space<vmem_shared>>
        tpu.enqueue_indirect_dma source(%arg9 : memref<128x128xf32, #tpu.memory_space<vmem>>) target(%dma_start3A_73 : memref<10240x128xf32, #tpu.memory_space<vmem_shared>>) offsets(%dma_start3A_70 : memref<128xi32, #tpu.memory_space<vmem>>) semaphore(%run_scoped3A : memref<!tpu.dma_semaphore, #tpu.memory_space<semaphore_mem>>) {add = true}
        %dma_wait3A_74 = arith.constant 0 : i32
        %dma_wait3A_75 = tpu.memref_slice %arg8[%add3A_40, %dma_wait3A_74] : memref<40x128xi32, #tpu.memory_space<vmem>> -> memref<1x128xi32, #tpu.memory_space<vmem>>
        %dma_wait3A_76 = tpu.memref_squeeze %dma_wait3A_75 : memref<1x128xi32, #tpu.memory_space<vmem>> -> memref<128xi32, #tpu.memory_space<vmem>>
        %dma_wait3A_77 = arith.constant 0 : i32
        %dma_wait3A_78 = arith.constant 0 : i32
        %dma_wait3A_79 = tpu.memref_slice %arg11[%dma_wait3A_77, %dma_wait3A_78] : memref<10240x128xf32, #tpu.memory_space<vmem_shared>> -> memref<10240x128xf32, #tpu.memory_space<vmem_shared>>
        tpu.wait_indirect_dma semaphore(%run_scoped3A : memref<!tpu.dma_semaphore, #tpu.memory_space<semaphore_mem>>) src(%arg9 : memref<128x128xf32, #tpu.memory_space<vmem>>) dst(%dma_wait3A_79 : memref<10240x128xf32, #tpu.memory_space<vmem_shared>>)
        tpu.yield
      }) : () -> ()
      %add3A_54 = arith.constant 2 : i32
      %add3A_55 = arith.addi %add3A_40, %add3A_54 : i32
      %lt3A = arith.constant 40 : i32
      %lt3A_56 = arith.cmpi slt, %add3A_55, %lt3A : i32
      %convert_element_type3A = arith.extui %lt3A_56 : i1 to i32
      %cond3A = arith.constant 0 : i32
      %cond3A_57 = arith.cmpi ne, %convert_element_type3A, %cond3A : i32
      scf.if %cond3A_57 {
        %add3A_68 = arith.constant 2 : i32
        %add3A_69 = arith.addi %add3A_40, %add3A_68 : i32
        %dma_start3A_70 = arith.constant 0 : i32
        %dma_start3A_71 = tpu.memref_slice %arg7[%add3A_69, %dma_start3A_70] : memref<40x128xi32, #tpu.memory_space<vmem>> -> memref<1x128xi32, #tpu.memory_space<vmem>>
        %dma_start3A_72 = tpu.memref_squeeze %dma_start3A_71 : memref<1x128xi32, #tpu.memory_space<vmem>> -> memref<128xi32, #tpu.memory_space<vmem>>
        %dma_start3A_73 = arith.constant 0 : i32
        %dma_start3A_74 = arith.constant 0 : i32
        %dma_start3A_75 = tpu.memref_slice %arg2[%dma_start3A_73, %dma_start3A_74] : memref<10240x128xf32, #tpu.memory_space<hbm>> -> memref<10240x128xf32, #tpu.memory_space<hbm>>
        tpu.enqueue_indirect_dma source(%dma_start3A_75 : memref<10240x128xf32, #tpu.memory_space<hbm>>) target(%arg9 : memref<128x128xf32, #tpu.memory_space<vmem>>) offsets(%dma_start3A_72 : memref<128xi32, #tpu.memory_space<vmem>>) semaphore(%arg12 : memref<!tpu.dma_semaphore, #tpu.memory_space<semaphore_mem>>)
      } else {
      }
      %add3A_58 = arith.constant 1 : i32
      %add3A_59 = arith.addi %add3A_40, %add3A_58 : i32
      %dma_wait3A_60 = arith.constant 0 : i32
      %dma_wait3A_61 = tpu.memref_slice %arg7[%add3A_59, %dma_wait3A_60] : memref<40x128xi32, #tpu.memory_space<vmem>> -> memref<1x128xi32, #tpu.memory_space<vmem>>
      %dma_wait3A_62 = tpu.memref_squeeze %dma_wait3A_61 : memref<1x128xi32, #tpu.memory_space<vmem>> -> memref<128xi32, #tpu.memory_space<vmem>>
      %dma_wait3A_63 = arith.constant 0 : i32
      %dma_wait3A_64 = arith.constant 0 : i32
      %dma_wait3A_65 = tpu.memref_slice %arg2[%dma_wait3A_63, %dma_wait3A_64] : memref<10240x128xf32, #tpu.memory_space<hbm>> -> memref<10240x128xf32, #tpu.memory_space<hbm>>
      tpu.wait_indirect_dma semaphore(%arg13 : memref<!tpu.dma_semaphore, #tpu.memory_space<semaphore_mem>>) src(%dma_wait3A_65 : memref<10240x128xf32, #tpu.memory_space<hbm>>) dst(%arg10 : memref<128x128xf32, #tpu.memory_space<vmem>>)
      %add3A_66 = arith.constant 1 : i32
      %add3A_67 = arith.addi %add3A_40, %add3A_66 : i32
      "tpu.region"() ({
        %run_scoped3A = tpu.sem_alloc : memref<!tpu.dma_semaphore, #tpu.memory_space<semaphore_mem>>
        %dma_start3A_68 = arith.constant 0 : i32
        %dma_start3A_69 = tpu.memref_slice %arg8[%add3A_67, %dma_start3A_68] : memref<40x128xi32, #tpu.memory_space<vmem>> -> memref<1x128xi32, #tpu.memory_space<vmem>>
        %dma_start3A_70 = tpu.memref_squeeze %dma_start3A_69 : memref<1x128xi32, #tpu.memory_space<vmem>> -> memref<128xi32, #tpu.memory_space<vmem>>
        %dma_start3A_71 = arith.constant 0 : i32
        %dma_start3A_72 = arith.constant 0 : i32
        %dma_start3A_73 = tpu.memref_slice %arg11[%dma_start3A_71, %dma_start3A_72] : memref<10240x128xf32, #tpu.memory_space<vmem_shared>> -> memref<10240x128xf32, #tpu.memory_space<vmem_shared>>
        tpu.enqueue_indirect_dma source(%arg10 : memref<128x128xf32, #tpu.memory_space<vmem>>) target(%dma_start3A_73 : memref<10240x128xf32, #tpu.memory_space<vmem_shared>>) offsets(%dma_start3A_70 : memref<128xi32, #tpu.memory_space<vmem>>) semaphore(%run_scoped3A : memref<!tpu.dma_semaphore, #tpu.memory_space<semaphore_mem>>) {add = true}
        %dma_wait3A_74 = arith.constant 0 : i32
        %dma_wait3A_75 = tpu.memref_slice %arg8[%add3A_67, %dma_wait3A_74] : memref<40x128xi32, #tpu.memory_space<vmem>> -> memref<1x128xi32, #tpu.memory_space<vmem>>
        %dma_wait3A_76 = tpu.memref_squeeze %dma_wait3A_75 : memref<1x128xi32, #tpu.memory_space<vmem>> -> memref<128xi32, #tpu.memory_space<vmem>>
        %dma_wait3A_77 = arith.constant 0 : i32
        %dma_wait3A_78 = arith.constant 0 : i32
        %dma_wait3A_79 = tpu.memref_slice %arg11[%dma_wait3A_77, %dma_wait3A_78] : memref<10240x128xf32, #tpu.memory_space<vmem_shared>> -> memref<10240x128xf32, #tpu.memory_space<vmem_shared>>
        tpu.wait_indirect_dma semaphore(%run_scoped3A : memref<!tpu.dma_semaphore, #tpu.memory_space<semaphore_mem>>) src(%arg10 : memref<128x128xf32, #tpu.memory_space<vmem>>) dst(%dma_wait3A_79 : memref<10240x128xf32, #tpu.memory_space<vmem_shared>>)
        tpu.yield
      }) : () -> ()
    }
    %scan3A_34 = arith.constant 20 : i32
    %barrier3A_35 = arith.constant 0 : index
    tpu.barrier barrier_id(%barrier3A_35)
    "tpu.region"() ({
      %run_scoped3A = tpu.sem_alloc : memref<!tpu.dma_semaphore, #tpu.memory_space<semaphore_mem>>
      %dma_start3A_36 = arith.constant 0 : i32
      %dma_start3A_37 = arith.constant 0 : i32
      %dma_start3A_38 = tpu.memref_slice %arg6[%arg0, %dma_start3A_36, %dma_start3A_37] : memref<2x10240x128xf32, #tpu.memory_space<hbm>> -> memref<1x10240x128xf32, #tpu.memory_space<hbm>>
      %dma_start3A_39 = tpu.memref_squeeze %dma_start3A_38 : memref<1x10240x128xf32, #tpu.memory_space<hbm>> -> memref<10240x128xf32, #tpu.memory_space<hbm>>
      %dma_start3A_40 = arith.constant 0 : i32
      %dma_start3A_41 = tpu.memref_slice %dma_start3A_39[%mul3A_2, %dma_start3A_40] : memref<10240x128xf32, #tpu.memory_space<hbm>> -> memref<640x128xf32, #tpu.memory_space<hbm>>
      %dma_start3A_42 = arith.constant 0 : i32
      %dma_start3A_43 = tpu.memref_slice %arg11[%mul3A_2, %dma_start3A_42] : memref<10240x128xf32, #tpu.memory_space<vmem_shared>> -> memref<640x128xf32, #tpu.memory_space<vmem_shared>>
      tpu.enqueue_dma source(%dma_start3A_43 : memref<640x128xf32, #tpu.memory_space<vmem_shared>>) target(%dma_start3A_41 : memref<640x128xf32, #tpu.memory_space<hbm>>) target_semaphore(%run_scoped3A : memref<!tpu.dma_semaphore, #tpu.memory_space<semaphore_mem>>)
      %dma_wait3A = arith.constant 0 : i32
      %dma_wait3A_44 = arith.constant 0 : i32
      %dma_wait3A_45 = tpu.memref_slice %arg6[%arg0, %dma_wait3A, %dma_wait3A_44] : memref<2x10240x128xf32, #tpu.memory_space<hbm>> -> memref<1x10240x128xf32, #tpu.memory_space<hbm>>
      %dma_wait3A_46 = tpu.memref_squeeze %dma_wait3A_45 : memref<1x10240x128xf32, #tpu.memory_space<hbm>> -> memref<10240x128xf32, #tpu.memory_space<hbm>>
      %dma_wait3A_47 = arith.constant 0 : i32
      %dma_wait3A_48 = tpu.memref_slice %dma_wait3A_46[%mul3A_2, %dma_wait3A_47] : memref<10240x128xf32, #tpu.memory_space<hbm>> -> memref<640x128xf32, #tpu.memory_space<hbm>>
      %dma_wait3A_49 = arith.constant 0 : i32
      %dma_wait3A_50 = tpu.memref_slice %arg11[%mul3A_2, %dma_wait3A_49] : memref<10240x128xf32, #tpu.memory_space<vmem_shared>> -> memref<640x128xf32, #tpu.memory_space<vmem_shared>>
      tpu.wait_dma2 semaphore(%run_scoped3A : memref<!tpu.dma_semaphore, #tpu.memory_space<semaphore_mem>>) src(%dma_wait3A_50 : memref<640x128xf32, #tpu.memory_space<vmem_shared>>) dst(%dma_wait3A_48 : memref<640x128xf32, #tpu.memory_space<hbm>>)
      tpu.yield
    }) : () -> ()
    return
  }
}

module attributes {stable_mosaic.version = 14 : i64} {
  func.func @_gemm_scale_body(%arg0: i32, %arg1: memref<1280x128xf32, #tpu.memory_space<vmem>>, %arg2: memref<128x128xf32, #tpu.memory_space<vmem>>, %arg3: memref<1280x128xf32, #tpu.memory_space<vmem>>, %arg4: memref<1280x128xf32, #tpu.memory_space<vmem>>, %arg5: memref<1280x128xf32, #tpu.memory_space<vmem>>) attributes {dimension_semantics = [#tpu.dimension_semantics<arbitrary>], iteration_bounds = array<i64: 8>, scalar_prefetch = 0 : i64, scratch_operands = 0 : i64, tpu.core_type = #tpu.core_type<tc>, window_params = [{transform_indices = @transform_0, window_bounds = array<i64: 1280, 128>}, {pipeline_mode = #tpu.pipeline_mode<synchronous>, transform_indices = @transform_1, window_bounds = array<i64: 128, 128>}, {transform_indices = @transform_2, window_bounds = array<i64: 1280, 128>}, {transform_indices = @transform_3, window_bounds = array<i64: 1280, 128>}, {transform_indices = @transform_4, window_bounds = array<i64: 1280, 128>}]} {
    %get3A = arith.constant 0 : index
    %get3A_0 = arith.constant 0 : index
    %get3A_1 = vector.load %arg1[%get3A, %get3A_0] : memref<1280x128xf32, #tpu.memory_space<vmem>>, vector<1280x128xf32>
    %get3A_2 = arith.constant 0 : index
    %get3A_3 = arith.constant 0 : index
    %get3A_4 = vector.load %arg2[%get3A_2, %get3A_3] : memref<128x128xf32, #tpu.memory_space<vmem>>, vector<128x128xf32>
    %dot_general3A = arith.constant dense<0.000000e+00> : vector<1280x128xf32>
    %dot_general3A_5 = tpu.matmul %get3A_1, %get3A_4, %dot_general3A {dimension_numbers = #tpu.dot_dimension_numbers<[1], [0], [0], [1], [0, 0, 1, 1], [], []>, precision = #tpu.contract_precision<fp32>, transpose_lhs_hint = false} : vector<1280x128xf32>, vector<128x128xf32>, vector<1280x128xf32> -> vector<1280x128xf32>
    %get3A_6 = arith.constant 0 : index
    %get3A_7 = arith.constant 0 : index
    %get3A_8 = vector.load %arg3[%get3A_6, %get3A_7] : memref<1280x128xf32, #tpu.memory_space<vmem>>, vector<1280x1xf32>
    %add3A = arith.constant 1.000000e+00 : f32
    %add3A_9 = vector.broadcast %add3A : f32 to vector<1280x1xf32>
    %add3A_10 = arith.addf %add3A_9, %get3A_8 : vector<1280x1xf32>
    %get3A_11 = arith.constant 0 : index
    %get3A_12 = arith.constant 0 : index
    %get3A_13 = vector.load %arg4[%get3A_11, %get3A_12] : memref<1280x128xf32, #tpu.memory_space<vmem>>, vector<1280x1xf32>
    %add3A_14 = arith.addf %add3A_10, %get3A_13 : vector<1280x1xf32>
    %rsqrt3A = math.rsqrt %add3A_14 : vector<1280x1xf32>
    %mul3A = vector.broadcast %rsqrt3A : vector<1280x1xf32> to vector<1280x128xf32>
    %mul3A_15 = arith.mulf %dot_general3A_5, %mul3A : vector<1280x128xf32>
    %swap3A = arith.constant 0 : index
    %swap3A_16 = arith.constant 0 : index
    %swap3A_17 = vector.load %arg5[%swap3A, %swap3A_16] : memref<1280x128xf32, #tpu.memory_space<vmem>>, vector<1280x128xf32>
    tpu.vector_store %arg5[%swap3A, %swap3A_16], %mul3A_15 {strides = array<i32>} : memref<1280x128xf32, #tpu.memory_space<vmem>>, vector<1280x128xf32>,
    return
  }
  func.func @transform_0(%arg0: i32) -> (i32, i32) {
    %c0_i32 = arith.constant 0 : i32
    %c0_i32_0 = arith.constant 0 : i32
    return %arg0, %c0_i32 : i32, i32
  }
  func.func @transform_1(%arg0: i32) -> (i32, i32) {
    %c0_i32 = arith.constant 0 : i32
    %c0_i32_0 = arith.constant 0 : i32
    %c0_i32_1 = arith.constant 0 : i32
    return %c0_i32, %c0_i32_0 : i32, i32
  }
  func.func @transform_2(%arg0: i32) -> (i32, i32) {
    %c0_i32 = arith.constant 0 : i32
    %c0_i32_0 = arith.constant 0 : i32
    return %arg0, %c0_i32 : i32, i32
  }
  func.func @transform_3(%arg0: i32) -> (i32, i32) {
    %c0_i32 = arith.constant 0 : i32
    %c0_i32_0 = arith.constant 0 : i32
    return %arg0, %c0_i32 : i32, i32
  }
  func.func @transform_4(%arg0: i32) -> (i32, i32) {
    %c0_i32 = arith.constant 0 : i32
    %c0_i32_0 = arith.constant 0 : i32
    return %arg0, %c0_i32 : i32, i32
  }
}

module attributes {stable_mosaic.version = 14 : i64} {
  func.func @_epilogue_body(%arg0: i32, %arg1: memref<2000x128xf32, #tpu.memory_space<vmem>>, %arg2: memref<2000x128xf32, #tpu.memory_space<vmem>>, %arg3: memref<2000x128xf32, #tpu.memory_space<vmem>>, %arg4: memref<2000x128xf32, #tpu.memory_space<vmem>>, %arg5: memref<2000x128xf32, #tpu.memory_space<vmem>>, %arg6: memref<1x128xf32, #tpu.memory_space<vmem>>, %arg7: memref<2000x128xf32, #tpu.memory_space<vmem>>, %arg8: memref<2000x128xf32, #tpu.memory_space<vmem>>) attributes {dimension_semantics = [#tpu.dimension_semantics<arbitrary>], iteration_bounds = array<i64: 5>, scalar_prefetch = 0 : i64, scratch_operands = 0 : i64, tpu.core_type = #tpu.core_type<tc>, window_params = [{transform_indices = @transform_0, window_bounds = array<i64: 2000, 128>}, {transform_indices = @transform_1, window_bounds = array<i64: 2000, 128>}, {transform_indices = @transform_2, window_bounds = array<i64: 2000, 128>}, {transform_indices = @transform_3, window_bounds = array<i64: 2000, 128>}, {transform_indices = @transform_4, window_bounds = array<i64: 2000, 128>}, {pipeline_mode = #tpu.pipeline_mode<synchronous>, transform_indices = @transform_5, window_bounds = array<i64: 1, 128>}, {transform_indices = @transform_6, window_bounds = array<i64: 2000, 128>}, {transform_indices = @transform_7, window_bounds = array<i64: 2000, 128>}]} {
    %get3A = arith.constant 0 : index
    %get3A_0 = arith.constant 0 : index
    %get3A_1 = vector.load %arg4[%get3A, %get3A_0] : memref<2000x128xf32, #tpu.memory_space<vmem>>, vector<2000x1xf32>
    %add3A = arith.constant 1.000000e+00 : f32
    %add3A_2 = vector.broadcast %add3A : f32 to vector<2000x1xf32>
    %add3A_3 = arith.addf %add3A_2, %get3A_1 : vector<2000x1xf32>
    %get3A_4 = arith.constant 0 : index
    %get3A_5 = arith.constant 0 : index
    %get3A_6 = vector.load %arg5[%get3A_4, %get3A_5] : memref<2000x128xf32, #tpu.memory_space<vmem>>, vector<2000x1xf32>
    %add3A_7 = arith.addf %add3A_3, %get3A_6 : vector<2000x1xf32>
    %rsqrt3A = math.rsqrt %add3A_7 : vector<2000x1xf32>
    %get3A_8 = arith.constant 0 : index
    %get3A_9 = arith.constant 0 : index
    %get3A_10 = vector.load %arg1[%get3A_8, %get3A_9] : memref<2000x128xf32, #tpu.memory_space<vmem>>, vector<2000x128xf32>
    %get3A_11 = arith.constant 0 : index
    %get3A_12 = arith.constant 0 : index
    %get3A_13 = vector.load %arg2[%get3A_11, %get3A_12] : memref<2000x128xf32, #tpu.memory_space<vmem>>, vector<2000x128xf32>
    %add3A_14 = arith.addf %get3A_10, %get3A_13 : vector<2000x128xf32>
    %get3A_15 = arith.constant 0 : index
    %get3A_16 = arith.constant 0 : index
    %get3A_17 = vector.load %arg3[%get3A_15, %get3A_16] : memref<2000x128xf32, #tpu.memory_space<vmem>>, vector<2000x128xf32>
    %add3A_18 = arith.addf %add3A_14, %get3A_17 : vector<2000x128xf32>
    %mul3A = vector.broadcast %rsqrt3A : vector<2000x1xf32> to vector<2000x128xf32>
    %mul3A_19 = arith.mulf %mul3A, %add3A_18 : vector<2000x128xf32>
    %get3A_20 = arith.constant 0 : index
    %get3A_21 = arith.constant 0 : index
    %get3A_22 = vector.load %arg6[%get3A_20, %get3A_21] : memref<1x128xf32, #tpu.memory_space<vmem>>, vector<1x128xf32>
    %add3A_23 = vector.broadcast %get3A_22 : vector<1x128xf32> to vector<2000x128xf32>
    %add3A_24 = arith.addf %mul3A_19, %add3A_23 : vector<2000x128xf32>
    %max3A = arith.constant 0.000000e+00 : f32
    %max3A_25 = vector.broadcast %max3A : f32 to vector<2000x128xf32>
    %max3A_26 = arith.maximumf %add3A_24, %max3A_25 : vector<2000x128xf32>
    %get3A_27 = arith.constant 0 : index
    %get3A_28 = arith.constant 0 : index
    %get3A_29 = vector.load %arg7[%get3A_27, %get3A_28] : memref<2000x128xf32, #tpu.memory_space<vmem>>, vector<2000x128xf32>
    %add3A_30 = arith.addf %max3A_26, %get3A_29 : vector<2000x128xf32>
    %swap3A = arith.constant 0 : index
    %swap3A_31 = arith.constant 0 : index
    %swap3A_32 = vector.load %arg8[%swap3A, %swap3A_31] : memref<2000x128xf32, #tpu.memory_space<vmem>>, vector<2000x128xf32>
    tpu.vector_store %arg8[%swap3A, %swap3A_31], %add3A_30 {strides = array<i32>} : memref<2000x128xf32, #tpu.memory_space<vmem>>, vector<2000x128xf32>,
    return
  }
  func.func @transform_0(%arg0: i32) -> (i32, i32) {
    %c0_i32 = arith.constant 0 : i32
    %c0_i32_0 = arith.constant 0 : i32
    return %arg0, %c0_i32 : i32, i32
  }
  func.func @transform_1(%arg0: i32) -> (i32, i32) {
    %c0_i32 = arith.constant 0 : i32
    %c0_i32_0 = arith.constant 0 : i32
    return %arg0, %c0_i32 : i32, i32
  }
  func.func @transform_2(%arg0: i32) -> (i32, i32) {
    %c0_i32 = arith.constant 0 : i32
    %c0_i32_0 = arith.constant 0 : i32
    return %arg0, %c0_i32 : i32, i32
  }
  func.func @transform_3(%arg0: i32) -> (i32, i32) {
    %c0_i32 = arith.constant 0 : i32
    %c0_i32_0 = arith.constant 0 : i32
    return %arg0, %c0_i32 : i32, i32
  }
  func.func @transform_4(%arg0: i32) -> (i32, i32) {
    %c0_i32 = arith.constant 0 : i32
    %c0_i32_0 = arith.constant 0 : i32
    return %arg0, %c0_i32 : i32, i32
  }
  func.func @transform_5(%arg0: i32) -> (i32, i32) {
    %c0_i32 = arith.constant 0 : i32
    %c0_i32_0 = arith.constant 0 : i32
    %c0_i32_1 = arith.constant 0 : i32
    return %c0_i32, %c0_i32_0 : i32, i32
  }
  func.func @transform_6(%arg0: i32) -> (i32, i32) {
    %c0_i32 = arith.constant 0 : i32
    %c0_i32_0 = arith.constant 0 : i32
    return %arg0, %c0_i32 : i32, i32
  }
  func.func @transform_7(%arg0: i32) -> (i32, i32) {
    %c0_i32 = arith.constant 0 : i32
    %c0_i32_0 = arith.constant 0 : i32
    return %arg0, %c0_i32 : i32, i32
  }
}

</mosaic_0001>

<sc_bundles>
// kernel: kernel.6.cloned.1.call-start
scs
__scs_entry_jumppad:
0x0: {  	(pc) =	sbr.rel $0x88, $3  }
0x1: {  	(tag) =	ssettag $0x0;
	lr =	simm.s32 $0x1  }
0x2: {  	[smem:$0x3F9D] =	sst lr;
	_ =	strace $0xD0000000  }
0x3: {  	_ = 	snop  }
0x4: {  	_ = 	snop  }
0x5: {  	_ = 	snop  }
0x6: {  	_ = 	snop  }
0x7: {  	_ = 	snop  }
__scs_overlays_trampoline_lowered:
0x8: {  	[smem:$0x3FAC] =	sst s0  }
0x9: {  	[smem:$0x3FAD] =	sst s1  }
0xa: {  	[smem:$0x3FAE] =	sst s2  }
0xb: {  	[smem:$0x3FAF] =	sst s3  }
0xc: {  	[smem:$0x3FB0] =	sst s4  }
0xd: {  	[smem:$0x3FB1] =	sst s5  }
0xe: {  	[smem:$0x3FB2] =	sst s6  }
0xf: {  	[smem:$0x3FB3] =	sst s7  }
0x10: {  	[smem:$0x3FB4] =	sst s8  }
0x11: {  	[smem:$0x3FB5] =	sst s9;
	s0 =	simm.s32 @!p0 $0x0  }
0x12: {  	s1 =	sld [smem:$0x3F9B];
	s0 =	simm.s32 @p0 $0x1  }
0x13: {  	[smem:$0x3FB6] =	sst s0;
	s0 =	simm.s32 @!p1 $0x0  }
0x14: {  	s2 =	sld [smem:$0x3F9A];
	s0 =	simm.s32 @p1 $0x1  }
0x15: {  	[smem:$0x3FB7] =	sst s0;
	s0 =	simm.s32 @!p2 $0x0  }
0x16: {  	s3 =	sld [smem:$0x3FDB];
	s0 =	simm.s32 @p2 $0x1  }
0x17: {  	s4 =	simm.s32 $0x1BF5;
	[smem:$0x3FB9] =	sst s0  }
0x18: {  	s0 =	sld [smem:$0x3F9C];
	_ =	swait.ge [sflag:s4], $0x0  }
0x19: {  	s7 =	sld [smem:$0x3F9D]  }
0x1a: {  	s8 =	sadd.s32 $0xFFFFE003, lr  }
0x1b: {  	s9 =	sadd.s32 $0xFFFFFEF7, lr;
	s5 =	simm.s32 $0xFFFFFFFF;
	p2 =	slt.u32 s8, $0xFFFFF086  }
0x1c: {  	p1 =	slt.u32 s9, $0xF7A;
	s5 =	simm.s32 @!p2 $0x0  }
0x1d: {  	s5 =	simm.s32 @p1 $0x1;
	p0 =	seq.s32 s7, s2  }
0x1e: {  	s7 =	smul.u32 @!p0 $0xF7A, s2;
	p2 =	seq.s32 @!p0 s5, $0x0  }
0x1f: {  	s9 =	smul.u32 $0xF7A, s1;
	s8 =	simm.s32 @!p0 $0x1BF5;
	p2 =	por !p2, p0  }
0x20: {  	[sflag:s8] =	ssyncset.s32 @!p0 $0xFFFFF086;
	s6 =	sadd.s32 @!p0 s3, s7;
	s7 =	simm.s32 @!p0 $0x108  }
0x21: {  	s3 =	sadd.s32 s3, s9;
	s6 =	sadd.s32 @!p0 $0x88, s6;
	s7 =	simm.s32 @p2 $0x1082  }
0x22: {  	[simem:s7], [sflag:s8] =	dma.local @!p0 [hbm:s6], $0xF7A  }
0x23: {  	s9 =	sor.u32 $0xD0000000, s2;
	s6 =	simm.s32 $0x108;
	_ =	swait.ge @!p0 [sflag:s8], $0x0  }
0x24: {  	s3 =	sadd.s32 $0x88, s3;
	s6 =	simm.s32 @!p1 $0x1082;
	[sflag:s4] =	ssyncset.s32 $0xFFFFF086  }
0x25: {  	[simem:s6], [sflag:s4] =	dma.local [hbm:s3], $0xF7A  }
0x26: {  	[smem:$0x3F9D] =	sst s1;
	(tag) =	ssettag s2;
	_ =	strace s9  }
0x27: {  	s1 =	sld [smem:$0x3FAD]  }
0x28: {  	s2 =	sld [smem:$0x3FAE]  }
0x29: {  	s4 =	sld [smem:$0x3FB0]  }
0x2a: {  	p0 =	seq.s32 s5, $0x0;
	s5 =	sld [smem:$0x3FB1]  }
0x2b: {  	s6 =	sld [smem:$0x3FB2]  }
0x2c: {  	s7 =	sld [smem:$0x3FB3]  }
0x2d: {  	s3 =	simm.s32 $0x108;
	s8 =	sld [smem:$0x3FB4]  }
0x2e: {  	s3 =	simm.s32 @!p0 $0x1082;
	s9 =	sld [smem:$0x3FB5]  }
0x2f: {  	lr =	sadd.s32 s0, s3;
	s0 =	sld [smem:$0x3FAC]  }
0x30: {  	s3 =	sld [smem:$0x3FAF]  }
0x31: {  	[smem:$0x3FB8] =	sst s10  }
0x32: {  	s10 =	sld [smem:$0x3FB6];
	_ =	sdelay $0x3  }
0x33: {  	p0 =	seq.s32 s10, $0x1;
	s10 =	sld [smem:$0x3FB8];
	_ =	sdelay $0x3  }
0x34: {  	[smem:$0x3FB8] =	sst s10  }
0x35: {  	s10 =	sld [smem:$0x3FB7];
	_ =	sdelay $0x3  }
0x36: {  	p1 =	seq.s32 s10, $0x1;
	s10 =	sld [smem:$0x3FB8];
	_ =	sdelay $0x3  }
0x37: {  	[smem:$0x3FB8] =	sst s10  }
0x38: {  	s10 =	sld [smem:$0x3FB9]  }
0x39: {  	_ = 	snop;
	(pc) =	sbr.ind lr, $3  }
0x3a: {  	_ = 	snop  }
0x3b: {  	_ = 	snop  }
0x3c: {  	p2 =	seq.s32 s10, $0x1;
	s10 =	sld [smem:$0x3FB8]  }
0x3d: {  	_ =	shalt  }
0x3e: {  	_ =	shalt  }
0x3f: {  	_ =	shalt  }
0x40: {  	_ =	shalt  }
0x41: {  	_ =	shalt  }
0x42: {  	_ =	shalt  }
0x43: {  	_ =	shalt  }
0x44: {  	_ =	shalt  }
0x45: {  	_ =	shalt  }
0x46: {  	_ =	shalt  }
0x47: {  	_ =	shalt  }
0x48: {  	_ =	shalt  }
0x49: {  	_ =	shalt  }
0x4a: {  	_ =	shalt  }
0x4b: {  	_ =	shalt  }
0x4c: {  	_ =	shalt  }
0x4d: {  	_ =	shalt  }
0x4e: {  	_ =	shalt  }
0x4f: {  	_ =	shalt  }
0x50: {  	_ =	shalt  }
0x51: {  	_ =	shalt  }
0x52: {  	_ =	shalt  }
0x53: {  	_ =	shalt  }
0x54: {  	_ =	shalt  }
0x55: {  	_ =	shalt  }
0x56: {  	_ =	shalt  }
0x57: {  	_ =	shalt  }
0x58: {  	_ =	shalt  }
0x59: {  	_ =	shalt  }
0x5a: {  	_ =	shalt  }
0x5b: {  	_ =	shalt  }
0x5c: {  	_ =	shalt  }
0x5d: {  	_ =	shalt  }
0x5e: {  	_ =	shalt  }
0x5f: {  	_ =	shalt  }
0x60: {  	_ =	shalt  }
0x61: {  	_ =	shalt  }
0x62: {  	_ =	shalt  }
0x63: {  	_ =	shalt  }
0x64: {  	_ =	shalt  }
0x65: {  	_ =	shalt  }
0x66: {  	_ =	shalt  }
0x67: {  	_ =	shalt  }
0x68: {  	_ =	shalt  }
0x69: {  	_ =	shalt  }
0x6a: {  	_ =	shalt  }
0x6b: {  	_ =	shalt  }
0x6c: {  	_ =	shalt  }
0x6d: {  	_ =	shalt  }
0x6e: {  	_ =	shalt  }
0x6f: {  	_ =	shalt  }
0x70: {  	_ =	shalt  }
0x71: {  	_ =	shalt  }
0x72: {  	_ =	shalt  }
0x73: {  	_ =	shalt  }
0x74: {  	_ =	shalt  }
0x75: {  	_ =	shalt  }
0x76: {  	_ =	shalt  }
0x77: {  	_ =	shalt  }
0x78: {  	_ =	shalt  }
0x79: {  	_ =	shalt  }
0x7a: {  	_ =	shalt  }
0x7b: {  	_ =	shalt  }
0x7c: {  	_ =	shalt  }
0x7d: {  	_ =	shalt  }
0x7e: {  	_ =	shalt  }
0x7f: {  	_ =	shalt  }
0x80: {  	_ =	shalt  }
0x81: {  	_ =	shalt  }
0x82: {  	_ =	shalt  }
0x83: {  	_ =	shalt  }
0x84: {  	_ =	shalt  }
0x85: {  	_ =	shalt  }
0x86: {  	_ =	shalt  }
0x87: {  	_ =	shalt  }
.Lfunc_end0:
.L_simem_size_0:
called_computation_lowered:
.L_overlay_start_0:
0x88: {  	s2 =	sld [smem:$0x3FD9]  }
0x89: {  	s3 =	sld [smem:$0x3FFE];
	_ =	sdelay $0x1  }
0x8a: {  	s1 =	srdreg.scid  }
0x8b: {  	s0 =	sand.u32 $0x1, s1  }
0x8c: {  	s16 =	sshll.u32 s0, $0xA;
	s2 =	sadd.s32 s3, s2  }
0x8d: {  	s2 =	sadd.s32 s2, s16  }
0x8e: {  	[smem:$0x3FC4] =	sst s2  }
0x8f: {  	_ = 	snop  }
0x90: {  	(tm) =	ssettm $0x1  }
0x91: {  	s17 =	sld [smem:$0x3FFB];
	_ =	sdelay $0x3  }
0x92: {  	_ =	strace s17  }
0x93: {  	s2 =	sld [smem:$0x3FFC];
	_ =	sdelay $0x3  }
0x94: {  	_ =	strace s2  }
0x95: {  	s2 =	sld [smem:$0x3FFD];
	_ =	sdelay $0x3  }
0x96: {  	_ =	strace s2  }
0x97: {  	_ =	strace $0x8FFFFFFF  }
0x98: {  	s18 =	sld [smem:$0x3FDB];
	_ =	sdelay $0x1  }
0x99: {  	s19 =	simm.s32 $_scs_section_size  }
0x9a: {  	s4 =	simm.s32 $_size__tile_overlayer_lowered;
	s5 =	simm.s32 $_tile_overlayer_lowered  }
0x9b: {  	s22 =	simm.s32 $0x1BFF;
	s21 =	sshll.u32 s5, $0x1;
	s2 =	sadd.s32 s19, s18  }
0x9c: {  	s6 =	simm.s32 $0x0;
	s20 =	sshll.u32 s4, $0x1;
	s4 =	sadd.s32 s21, s2  }
0x9d: {  	[timem:s6], [sflag:s22] =	dma.local [hbm:s4], s20  }
0x9e: {  	_ =	swait.ge [sflag:s22], s20  }
0x9f: {  	s3 =	ssub.s32 $0x0, s20;
	[sflag:s22] =	ssyncset.done $0x0  }
0xa0: {  	[sflag:s22] =	ssyncadd.s32 s3;
	_ =	sdelay $0x1  }
0xa1: {  	s23 =	simm.s32 $0x1B8B  }
0xa2: {  	_ =	swait.ge [sflag:s23], $0x1  }
0xa3: {  	[sflag:s23] =	ssyncset.done $0x0  }
0xa4: {  	s25 =	simm.s32 $0x1B8E;
	s24 =	sld [smem:$0x3FFE];
	[sflag:s23] =	ssyncadd.s32 $0xFFFFFFFF  }
0xa5: {  	s26 =	simm.s32 $execute0_lowered;
	[smem:$0x3FD2] =	sst s25  }
0xa6: {  	s4 =	sshll.u32 s26, $0x1;
	_ =	strace $0x80000046;
	[dreg:$0x1] =	wrdreg $0xFFFFFFFF  }
0xa7: {  	s28 =	simm.s32 $_size_execute0_lowered;
	s2 =	sadd.s32 s2, s4;
	[dreg:$0x0] =	wrdreg $0x0  }
0xa8: {  	s4 =	sshll.u32 s28, $0x1;
	[dreg:$0x2] =	wrdreg s2  }
0xa9: {  	[dreg:$0x3] =	wrdreg s4  }
0xaa: {  	[dreg:$0x4] =	wrdreg $0xC0  }
0xab: {  	_ =	task [dreg:s6], $0x5FFFF  }
0xac: {  	[dreg:$0x1] =	wrdreg $0xFFFFFFFF  }
0xad: {  	[dreg:$0x0] =	wrdreg $0x60  }
0xae: {  	[dreg:$0x2] =	wrdreg s24  }
0xaf: {  	[dreg:$0x3] =	wrdreg $0x68000  }
0xb0: {  	[dreg:$0x4] =	wrdreg $0x9  }
0xb1: {  	_ =	task.clear_ibuf [dreg:s6], $0x5FFFF;
	_ =	strace $0x90000046  }
0xb2: {  	s29 =	simm.s32 $0x9;
	_ =	strace $0x80000048  }
0xb3: {  	_ =	swait.ge [sflag:s29], $0x1  }
0xb4: {  	[sflag:s29] =	ssyncadd.s32 $0xFFFFFFFF  }
0xb5: {  	_ =	strace $0x90000048  }
0xb6: {  	_ =	sfence  }
0xb7: {  	s30 =	sld [smem:$0x0];
	_ =	sdelay $0x2  }
0xb8: {  	s31 =	sshll.u32 s1, $0xD;
	s1 =	sshrl.u32 s1, $0x2  }
0xb9: {  	s3 =	sand.u32 $0x4000, s31;
	s1 =	sadd.s32 s1, s30  }
0xba: {  	s0 =	sor.u32 s3, s0;
	s1 =	sshll.u32 s1, $0x11  }
0xbb: {  	s0 =	sor.u32 s1, s0  }
0xbc: {  	s0 =	sadd.s32 $0x8F2B, s0  }
0xbd: {  	[sflag:s0] =	ssyncadd.remote.s32 $0x1  }
0xbe: {  	_ =	sfence.sel $0xFFFF  }
0xbf: {  	[dreg:$0x0] =	wrdreg $0xFFFFFFFF;
	(pc) =	sbr.abs _section_cstart, $3  }
0xc0: {  	[dreg:$0x1] =	wrdreg $0xFFFFFFFF  }
0xc1: {  	_ =	task.clear_ibuf [dreg:s6], $0x2FFFF;
	_ =	strace $0x9FFFFFFF  }
0xc2: {  	(tm) =	ssettm $0x7FFFFFFF  }
0xc3: {  	_ =	shalt  }
tec
execute0_lowered:
.L_overlay_start_1:
0x0: {  	(tag) =	ssettag $0x1  }
0x1: {  	s1 =	srdreg.scid  }
0x2: {  	s0 =	stileid.u32;
	s7 =	rddreg [dreg:$0x0]  }
0x3: {  	s2 =	rddreg [dreg:$0x1];
	s3 =	simm.s32 $0x0;
	s14 =	simm.s32 $0x1  }
0x4: {  	s15 =	simm.s32 $0x80;
	s19 =	simm.s32 $0x0;
	s5 =	sand.u32 $0x1, s1  }
0x5: {  	s30 =	sshll.u32 s0, $0x1;
	s1 =	rddreg [dreg:$0x2];
	s6 =	smul.u32 $0x50000, s0  }
0x6: {  	[smem:$0x7FF] =	sst s3;
	s17 =	smul.u32 $0x2800, s0;
	s31 =	sshll.u32 s0, $0x6  }
0x7: {  	s4 =	sor.u32 s5, s30;
	_ =	strace $0x80000047;
	s8 =	smul.u32 $0x28000, s5  }
0x8: {  	s9 =	ssub.s32 $0x2, s5;
	s4 =	smul.u32 $0x500, s4;
	s6 =	sshrl.u32 s6, $0x2  }
0x9: {  	s5 =	sadd.s32 $0xC200, s7;
	s10 =	sshrl.u32 s9, $0x1;
	s6 =	sadd.s32 s6, s2  }
0xa: {  	s12 =	sadd.s32 s8, s7;
	s13 =	ssub.s32 s9, s10;
	s11 =	sadd.s32 s4, s7  }
0xb: {  	s4 =	sadd.s32 $0xCA00, s7;
	s7 =	sadd.s32 $0x4000, s6;
	s8 =	sadd.s32 $0x8000, s6  }
0xc: {  	s9 =	sadd.s32 $0xC000, s6;
	s10 =	sadd.s32 $0x10000, s6;
	s16 =	sadd.s32 $0xD200, s12  }
0xd: {  	s12 =	smax.u32 s13, $0x1;
	s13 =	simm.s32 $0x2800;
	s18 =	sshrl.u32 s6, $0x3  }
0xe: {  	s11 =	sadd.s32 $0x2200, s11;
	s16 =	sadd.s32 s17, s16;
	s17 =	sor.u32 $0x1C01, s31  }
.LBB2_1:
0xf: {  	[tilespmem:s13], [sflag:$0x1] =	stream.linear.gather [hbm4b:s5+s3], $0x4000, $0x38;
	[tilespmem:$0x1A800] =	vst v63  }
0x10: {  	_ =	swait.ge [sflag:s14], $0x4000  }
0x11: {  	[sflag:s14] =	ssyncset.done $0x0  }
0x12: {  	[sflag:s14] =	ssyncadd.s32 $0xFFFFC000  }
0x13: {  	[spmem:s6] =	stream.linear.scatter [tilespmem:s13], [sflag:$0x1], $0x4000, $0x38;
	[tilespmem:$0x1A800] =	vst v63  }
0x14: {  	_ =	swait.ge [sflag:s14], $0x4000  }
0x15: {  	[sflag:s14] =	ssyncset.done $0x0  }
0x16: {  	[sflag:s14] =	ssyncadd.s32 $0xFFFFC000  }
0x17: {  	[spmem:s7] =	stream.linear.scatter [tilespmem:s13], [sflag:$0x1], $0x4000, $0x38;
	[tilespmem:$0x1A800] =	vst v63  }
0x18: {  	_ =	swait.ge [sflag:s14], $0x4000  }
0x19: {  	[sflag:s14] =	ssyncset.done $0x0  }
0x1a: {  	[sflag:s14] =	ssyncadd.s32 $0xFFFFC000  }
0x1b: {  	[spmem:s8] =	stream.linear.scatter [tilespmem:s13], [sflag:$0x1], $0x4000, $0x38;
	[tilespmem:$0x1A800] =	vst v63  }
0x1c: {  	_ =	swait.ge [sflag:s14], $0x4000  }
0x1d: {  	[sflag:s14] =	ssyncset.done $0x0  }
0x1e: {  	[sflag:s14] =	ssyncadd.s32 $0xFFFFC000  }
0x1f: {  	[spmem:s9] =	stream.linear.scatter [tilespmem:s13], [sflag:$0x1], $0x4000, $0x38;
	[tilespmem:$0x1A800] =	vst v63  }
0x20: {  	_ =	swait.ge [sflag:s14], $0x4000  }
0x21: {  	[sflag:s14] =	ssyncset.done $0x0  }
0x22: {  	[sflag:s14] =	ssyncadd.s32 $0xFFFFC000  }
0x23: {  	[spmem:s10] =	stream.linear.scatter [tilespmem:s13], [sflag:$0x1], $0x4000, $0x38;
	[tilespmem:$0x1A800] =	vst v63  }
0x24: {  	_ =	swait.ge [sflag:s14], $0x4000  }
0x25: {  	[sflag:s14] =	ssyncset.done $0x0  }
0x26: {  	[sflag:s14] =	ssyncadd.s32 $0xFFFFC000  }
0x27: {  	[tilespmem:s13], [sflag:$0x1] =	stream.linear.gather [hbm4b:s4+s3], $0x4000, $0x38;
	[tilespmem:$0x1A800] =	vst v63  }
0x28: {  	_ =	swait.ge [sflag:s14], $0x4000  }
0x29: {  	[sflag:s14] =	ssyncset.done $0x0  }
0x2a: {  	[sflag:s14] =	ssyncadd.s32 $0xFFFFC000  }
0x2b: {  	[bflag:$0x0] =	sbarrier.arrive $0xFFFF  }
0x2c: {  	[tilespmem:s3], [sflag:$0x1] =	stream.linear.gather [hbm4b:s11+s3], $0x2800, $0x38;
	[tilespmem:$0x1A800] =	vst v63  }
0x2d: {  	_ =	swait.ge [sflag:s14], $0x2800  }
0x2e: {  	[sflag:s14] =	ssyncset.done $0x0  }
0x2f: {  	s20 =	simm.s32 $0x0;
	[sflag:s14] =	ssyncadd.s32 $0xFFFFD800  }
0x30: {  	[spmem:s2] =	stream.indirect.scatter.add.f32 [tilespmem:s13], [sflag:$0x1], $0x80, s20, s15, $0xb8;
	[tilespmem:$0x1A800] =	vst v63  }
0x31: {  	_ =	swait.ge [sflag:s14], $0x4000  }
0x32: {  	s20 =	simm.s32 $0x200;
	[sflag:s14] =	ssyncset.done $0x0  }
.LBB2_2:
0x33: {  	s21 =	sshra.s32 s20, $0x2;
	[sflag:s14] =	ssyncadd.s32 $0xFFFFC000;
	p0 =	sne.s32 s20, $0x9E00  }
0x34: {  	[spmem:s2] =	stream.indirect.scatter.add.f32 [tilespmem:s13], [sflag:$0x1], $0x80, s21, s15, $0xb8;
	[tilespmem:$0x1A800] =	vst v63  }
.Ltmp0:
0x35: {  	_ = 	snop;
	(pc) =	sbr.rel @p0 .LBB2_2-.Ltmp0, $4  }
0x36: {  	_ = 	snop  }
0x37: {  	s20 =	sadd.s32 $0x200, s20  }
0x38: {  	_ =	swait.ge [sflag:s14], $0x4000  }
0x39: {  	[sflag:s14] =	ssyncset.done $0x0  }
0x3a: {  	s19 =	sadd.s32 $0x1, s19  }
0x3b: {  	[sflag:s14] =	ssyncadd.s32 $0xFFFFC000;
	p0 =	sne.s32 s19, s12  }
.Ltmp1:
0x3c: {  	[bflag:$0x0] =	sbarrier.arrive $0xFFFF;
	(pc) =	sbr.rel @p0 .LBB2_1-.Ltmp1, $4  }
0x3d: {  	[hbm:s16], [sflag:s17] =	dma.local [spmem:s18], $0x2800  }
0x3e: {  	_ =	swait.ge [sflag:s14], $0x2800  }
0x3f: {  	[sflag:s14] =	ssyncset.done $0x0  }
0x40: {  	[sflag:s14] =	ssyncadd.s32 $0xFFFFD800  }
0x41: {  	_ =	sfence.sel $0x180000  }
0x42: {  	[bflag:$0x0] =	sbarrier.arrive $0xFFFF  }
0x43: {  	p0 =	sne.s32 s0, $0x0;
	_ =	strace $0x90000047  }
0x44: {  	s0 =	sadd.s32 @!p0 $0x100000, s1;
	[bflag:$0x2] =	sbarrier.arrive $0xFFFF  }
0x45: {  	[sflag:s0] =	ssyncadd.tile.s32 @!p0 $0x1;
	_ =	shalt  }
.Lfunc_end2:
_tile_overlayer_lowered:
.L_overlay_start_2:
0x46: {  	(tag) =	ssettag $0x2  }
0x47: {  	s0 =	rddreg [dreg:$0x0];
	s2 =	stileid.u32  }
0x48: {  	s1 =	rddreg [dreg:$0x1];
	p0 =	sne.s32 s2, $0x0  }
0x49: {  	s3 =	rddreg [dreg:$0x2];
	[bflag:$0x3] =	sbarrier.arrive $0xFFFF;
	s2 =	simm.s32 @!p0 $0x1C01  }
0x4a: {  	[timem:s3], [sflag:s2] =	dma.local @!p0 [hbm:s0], s1  }
0x4b: {  	s0 =	simm.s32 @!p0 $0x1  }
0x4c: {  	_ =	swait.ge @!p0 [sflag:s0], s1  }
0x4d: {  	s1 =	ssub.s32 @!p0 $0x0, s1;
	[sflag:s0] =	ssyncset.done @!p0 $0x0  }
0x4e: {  	[sflag:s0] =	ssyncadd.s32 @!p0 s1  }
0x4f: {  	[bflag:$0x3] =	sbarrier.arrive $0xFFFF  }
0x50: {  	_ =	shalt  }

// kernel: kernel.9.cloned.1.call-start
scs
__scs_entry_jumppad:
0x0: {  	(pc) =	sbr.rel $0x88, $3  }
0x1: {  	(tag) =	ssettag $0x0;
	lr =	simm.s32 $0x1  }
0x2: {  	[smem:$0x3F9D] =	sst lr;
	_ =	strace $0xD0000000  }
0x3: {  	_ = 	snop  }
0x4: {  	_ = 	snop  }
0x5: {  	_ = 	snop  }
0x6: {  	_ = 	snop  }
0x7: {  	_ = 	snop  }
__scs_overlays_trampoline_lowered:
0x8: {  	[smem:$0x3FAC] =	sst s0  }
0x9: {  	[smem:$0x3FAD] =	sst s1  }
0xa: {  	[smem:$0x3FAE] =	sst s2  }
0xb: {  	[smem:$0x3FAF] =	sst s3  }
0xc: {  	[smem:$0x3FB0] =	sst s4  }
0xd: {  	[smem:$0x3FB1] =	sst s5  }
0xe: {  	[smem:$0x3FB2] =	sst s6  }
0xf: {  	[smem:$0x3FB3] =	sst s7  }
0x10: {  	[smem:$0x3FB4] =	sst s8  }
0x11: {  	[smem:$0x3FB5] =	sst s9;
	s0 =	simm.s32 @!p0 $0x0  }
0x12: {  	s1 =	sld [smem:$0x3F9B];
	s0 =	simm.s32 @p0 $0x1  }
0x13: {  	[smem:$0x3FB6] =	sst s0;
	s0 =	simm.s32 @!p1 $0x0  }
0x14: {  	s2 =	sld [smem:$0x3F9A];
	s0 =	simm.s32 @p1 $0x1  }
0x15: {  	[smem:$0x3FB7] =	sst s0;
	s0 =	simm.s32 @!p2 $0x0  }
0x16: {  	s3 =	sld [smem:$0x3FDB];
	s0 =	simm.s32 @p2 $0x1  }
0x17: {  	s4 =	simm.s32 $0x1BF5;
	[smem:$0x3FB9] =	sst s0  }
0x18: {  	s0 =	sld [smem:$0x3F9C];
	_ =	swait.ge [sflag:s4], $0x0  }
0x19: {  	s7 =	sld [smem:$0x3F9D]  }
0x1a: {  	s8 =	sadd.s32 $0xFFFFE003, lr  }
0x1b: {  	s9 =	sadd.s32 $0xFFFFFEF7, lr;
	s5 =	simm.s32 $0xFFFFFFFF;
	p2 =	slt.u32 s8, $0xFFFFF086  }
0x1c: {  	p1 =	slt.u32 s9, $0xF7A;
	s5 =	simm.s32 @!p2 $0x0  }
0x1d: {  	s5 =	simm.s32 @p1 $0x1;
	p0 =	seq.s32 s7, s2  }
0x1e: {  	s7 =	smul.u32 @!p0 $0xF7A, s2;
	p2 =	seq.s32 @!p0 s5, $0x0  }
0x1f: {  	s9 =	smul.u32 $0xF7A, s1;
	s8 =	simm.s32 @!p0 $0x1BF5;
	p2 =	por !p2, p0  }
0x20: {  	[sflag:s8] =	ssyncset.s32 @!p0 $0xFFFFF086;
	s6 =	sadd.s32 @!p0 s3, s7;
	s7 =	simm.s32 @!p0 $0x108  }
0x21: {  	s3 =	sadd.s32 s3, s9;
	s6 =	sadd.s32 @!p0 $0x88, s6;
	s7 =	simm.s32 @p2 $0x1082  }
0x22: {  	[simem:s7], [sflag:s8] =	dma.local @!p0 [hbm:s6], $0xF7A  }
0x23: {  	s9 =	sor.u32 $0xD0000000, s2;
	s6 =	simm.s32 $0x108;
	_ =	swait.ge @!p0 [sflag:s8], $0x0  }
0x24: {  	s3 =	sadd.s32 $0x88, s3;
	s6 =	simm.s32 @!p1 $0x1082;
	[sflag:s4] =	ssyncset.s32 $0xFFFFF086  }
0x25: {  	[simem:s6], [sflag:s4] =	dma.local [hbm:s3], $0xF7A  }
0x26: {  	[smem:$0x3F9D] =	sst s1;
	(tag) =	ssettag s2;
	_ =	strace s9  }
0x27: {  	s1 =	sld [smem:$0x3FAD]  }
0x28: {  	s2 =	sld [smem:$0x3FAE]  }
0x29: {  	s4 =	sld [smem:$0x3FB0]  }
0x2a: {  	p0 =	seq.s32 s5, $0x0;
	s5 =	sld [smem:$0x3FB1]  }
0x2b: {  	s6 =	sld [smem:$0x3FB2]  }
0x2c: {  	s7 =	sld [smem:$0x3FB3]  }
0x2d: {  	s3 =	simm.s32 $0x108;
	s8 =	sld [smem:$0x3FB4]  }
0x2e: {  	s3 =	simm.s32 @!p0 $0x1082;
	s9 =	sld [smem:$0x3FB5]  }
0x2f: {  	lr =	sadd.s32 s0, s3;
	s0 =	sld [smem:$0x3FAC]  }
0x30: {  	s3 =	sld [smem:$0x3FAF]  }
0x31: {  	[smem:$0x3FB8] =	sst s10  }
0x32: {  	s10 =	sld [smem:$0x3FB6];
	_ =	sdelay $0x3  }
0x33: {  	p0 =	seq.s32 s10, $0x1;
	s10 =	sld [smem:$0x3FB8];
	_ =	sdelay $0x3  }
0x34: {  	[smem:$0x3FB8] =	sst s10  }
0x35: {  	s10 =	sld [smem:$0x3FB7];
	_ =	sdelay $0x3  }
0x36: {  	p1 =	seq.s32 s10, $0x1;
	s10 =	sld [smem:$0x3FB8];
	_ =	sdelay $0x3  }
0x37: {  	[smem:$0x3FB8] =	sst s10  }
0x38: {  	s10 =	sld [smem:$0x3FB9]  }
0x39: {  	_ = 	snop;
	(pc) =	sbr.ind lr, $3  }
0x3a: {  	_ = 	snop  }
0x3b: {  	_ = 	snop  }
0x3c: {  	p2 =	seq.s32 s10, $0x1;
	s10 =	sld [smem:$0x3FB8]  }
0x3d: {  	_ =	shalt  }
0x3e: {  	_ =	shalt  }
0x3f: {  	_ =	shalt  }
0x40: {  	_ =	shalt  }
0x41: {  	_ =	shalt  }
0x42: {  	_ =	shalt  }
0x43: {  	_ =	shalt  }
0x44: {  	_ =	shalt  }
0x45: {  	_ =	shalt  }
0x46: {  	_ =	shalt  }
0x47: {  	_ =	shalt  }
0x48: {  	_ =	shalt  }
0x49: {  	_ =	shalt  }
0x4a: {  	_ =	shalt  }
0x4b: {  	_ =	shalt  }
0x4c: {  	_ =	shalt  }
0x4d: {  	_ =	shalt  }
0x4e: {  	_ =	shalt  }
0x4f: {  	_ =	shalt  }
0x50: {  	_ =	shalt  }
0x51: {  	_ =	shalt  }
0x52: {  	_ =	shalt  }
0x53: {  	_ =	shalt  }
0x54: {  	_ =	shalt  }
0x55: {  	_ =	shalt  }
0x56: {  	_ =	shalt  }
0x57: {  	_ =	shalt  }
0x58: {  	_ =	shalt  }
0x59: {  	_ =	shalt  }
0x5a: {  	_ =	shalt  }
0x5b: {  	_ =	shalt  }
0x5c: {  	_ =	shalt  }
0x5d: {  	_ =	shalt  }
0x5e: {  	_ =	shalt  }
0x5f: {  	_ =	shalt  }
0x60: {  	_ =	shalt  }
0x61: {  	_ =	shalt  }
0x62: {  	_ =	shalt  }
0x63: {  	_ =	shalt  }
0x64: {  	_ =	shalt  }
0x65: {  	_ =	shalt  }
0x66: {  	_ =	shalt  }
0x67: {  	_ =	shalt  }
0x68: {  	_ =	shalt  }
0x69: {  	_ =	shalt  }
0x6a: {  	_ =	shalt  }
0x6b: {  	_ =	shalt  }
0x6c: {  	_ =	shalt  }
0x6d: {  	_ =	shalt  }
0x6e: {  	_ =	shalt  }
0x6f: {  	_ =	shalt  }
0x70: {  	_ =	shalt  }
0x71: {  	_ =	shalt  }
0x72: {  	_ =	shalt  }
0x73: {  	_ =	shalt  }
0x74: {  	_ =	shalt  }
0x75: {  	_ =	shalt  }
0x76: {  	_ =	shalt  }
0x77: {  	_ =	shalt  }
0x78: {  	_ =	shalt  }
0x79: {  	_ =	shalt  }
0x7a: {  	_ =	shalt  }
0x7b: {  	_ =	shalt  }
0x7c: {  	_ =	shalt  }
0x7d: {  	_ =	shalt  }
0x7e: {  	_ =	shalt  }
0x7f: {  	_ =	shalt  }
0x80: {  	_ =	shalt  }
0x81: {  	_ =	shalt  }
0x82: {  	_ =	shalt  }
0x83: {  	_ =	shalt  }
0x84: {  	_ =	shalt  }
0x85: {  	_ =	shalt  }
0x86: {  	_ =	shalt  }
0x87: {  	_ =	shalt  }
.Lfunc_end0:
.L_simem_size_0:
called_computation.1_lowered:
.L_overlay_start_0:
0x88: {  	s2 =	sld [smem:$0x3FD9]  }
0x89: {  	s3 =	sld [smem:$0x3FFE];
	_ =	sdelay $0x1  }
0x8a: {  	s1 =	srdreg.scid  }
0x8b: {  	s0 =	sand.u32 $0x1, s1  }
0x8c: {  	s17 =	sshll.u32 s0, $0xA;
	s2 =	sadd.s32 s3, s2  }
0x8d: {  	s2 =	sadd.s32 s2, s17  }
0x8e: {  	[smem:$0x3FC4] =	sst s2  }
0x8f: {  	_ = 	snop  }
0x90: {  	s2 =	sld [smem:$0x3FD0];
	(tm) =	ssettm $0x1  }
0x91: {  	s18 =	sld [smem:$0x3FFB];
	_ =	sdelay $0x3  }
0x92: {  	_ =	strace s18  }
0x93: {  	s3 =	sld [smem:$0x3FFC];
	_ =	sdelay $0x3  }
0x94: {  	_ =	strace s3  }
0x95: {  	s3 =	sld [smem:$0x3FFD];
	_ =	sdelay $0x3  }
0x96: {  	_ =	strace s3  }
0x97: {  	_ =	strace $0x8FFFFFFF  }
0x98: {  	s19 =	sld [smem:$0x3FDB];
	_ =	sdelay $0x1  }
0x99: {  	s4 =	simm.s32 $_scs_section_size  }
0x9a: {  	s5 =	simm.s32 $_size__tile_overlayer_lowered;
	s6 =	simm.s32 $_tile_overlayer_lowered  }
0x9b: {  	s22 =	simm.s32 $0x1BFF;
	s21 =	sshll.u32 s6, $0x1;
	s3 =	sadd.s32 s4, s19  }
0x9c: {  	s7 =	simm.s32 $0x0;
	s20 =	sshll.u32 s5, $0x1;
	s5 =	sadd.s32 s21, s3  }
0x9d: {  	[timem:s7], [sflag:s22] =	dma.local [hbm:s5], s20  }
0x9e: {  	_ =	swait.ge [sflag:s22], s20  }
0x9f: {  	s4 =	ssub.s32 $0x0, s20;
	[sflag:s22] =	ssyncset.done $0x0  }
0xa0: {  	[sflag:s22] =	ssyncadd.s32 s4;
	_ =	sdelay $0x1  }
0xa1: {  	s23 =	simm.s32 $0x1B8B  }
0xa2: {  	_ =	swait.ge [sflag:s23], $0x1  }
0xa3: {  	[sflag:s23] =	ssyncset.done $0x0  }
0xa4: {  	s25 =	simm.s32 $0x1B8E;
	s24 =	sld [smem:$0x3FFE];
	[sflag:s23] =	ssyncadd.s32 $0xFFFFFFFF  }
0xa5: {  	s26 =	simm.s32 $execute0_lowered;
	[smem:$0x3FD2] =	sst s25  }
0xa6: {  	s5 =	sshll.u32 s26, $0x1;
	_ =	strace $0x80000049;
	[dreg:$0x1] =	wrdreg $0xFFFFFFFF  }
0xa7: {  	s28 =	simm.s32 $_size_execute0_lowered;
	s3 =	sadd.s32 s3, s5;
	[dreg:$0x0] =	wrdreg $0x0  }
0xa8: {  	s5 =	sshll.u32 s28, $0x1;
	[dreg:$0x2] =	wrdreg s3  }
0xa9: {  	[dreg:$0x3] =	wrdreg s5  }
0xaa: {  	[dreg:$0x4] =	wrdreg $0xC0  }
0xab: {  	_ =	task [dreg:s7], $0x5FFFF  }
0xac: {  	[dreg:$0x1] =	wrdreg $0xFFFFFFFF  }
0xad: {  	[dreg:$0x0] =	wrdreg $0x60  }
0xae: {  	[dreg:$0x2] =	wrdreg s24  }
0xaf: {  	[dreg:$0x3] =	wrdreg s2  }
0xb0: {  	[dreg:$0x4] =	wrdreg $0xA8000  }
0xb1: {  	[dreg:$0x5] =	wrdreg $0x9  }
0xb2: {  	_ =	task.clear_ibuf [dreg:s7], $0x6FFFF;
	_ =	strace $0x90000049  }
0xb3: {  	s29 =	simm.s32 $0x9;
	_ =	strace $0x8000004B  }
0xb4: {  	_ =	swait.ge [sflag:s29], $0x1  }
0xb5: {  	[sflag:s29] =	ssyncadd.s32 $0xFFFFFFFF  }
0xb6: {  	_ =	strace $0x9000004B  }
0xb7: {  	_ =	sfence  }
0xb8: {  	s30 =	sld [smem:$0x0];
	_ =	sdelay $0x2  }
0xb9: {  	s31 =	sshll.u32 s1, $0xD;
	s1 =	sshrl.u32 s1, $0x2  }
0xba: {  	s3 =	sand.u32 $0x4000, s31;
	s1 =	sadd.s32 s1, s30  }
0xbb: {  	s0 =	sor.u32 s3, s0;
	s1 =	sshll.u32 s1, $0x11  }
0xbc: {  	s0 =	sor.u32 s1, s0  }
0xbd: {  	s0 =	sadd.s32 $0x8F2B, s0  }
0xbe: {  	[sflag:s0] =	ssyncadd.remote.s32 $0x1  }
0xbf: {  	_ =	sfence.sel $0xFFFF  }
0xc0: {  	[dreg:$0x0] =	wrdreg $0xFFFFFFFF;
	(pc) =	sbr.abs _section_cstart, $3  }
0xc1: {  	[dreg:$0x1] =	wrdreg $0xFFFFFFFF  }
0xc2: {  	_ =	task.clear_ibuf [dreg:s7], $0x2FFFF;
	_ =	strace $0x9FFFFFFF  }
0xc3: {  	(tm) =	ssettm $0x7FFFFFFF  }
tec
execute0_lowered:
.L_overlay_start_1:
0x0: {  	(tag) =	ssettag $0x1  }
0x1: {  	s6 =	rddreg [dreg:$0x0]  }
0x2: {  	s11 =	rddreg [dreg:$0x1];
	s1 =	srdreg.scid  }
0x3: {  	s0 =	stileid.u32;
	s2 =	rddreg [dreg:$0x2]  }
0x4: {  	s3 =	simm.s32 $0x0;
	s16 =	simm.s32 $0x1400;
	s17 =	simm.s32 $0x80  }
0x5: {  	s18 =	simm.s32 $0x6800;
	s19 =	simm.s32 $0x1;
	s20 =	simm.s32 $0x2  }
0x6: {  	s21 =	simm.s32 $0x1380;
	s22 =	simm.s32 $0x2700;
	s23 =	simm.s32 $0x2780  }
0x7: {  	s28 =	simm.s32 $0x0;
	s5 =	sand.u32 $0x1, s1;
	s7 =	smul.u32 $0x50000, s0  }
0x8: {  	s4 =	sshll.u32 s0, $0x1;
	[smem:$0x7FF] =	sst s3;
	s25 =	smul.u32 $0x2800, s0  }
0x9: {  	s31 =	sshll.u32 s0, $0x6;
	s4 =	sor.u32 s5, s4;
	_ =	strace $0x8000004A  }
0xa: {  	s8 =	smul.u32 $0x28000, s5;
	s9 =	ssub.s32 $0x2, s5;
	s5 =	sadd.s32 $0xC200, s6  }
0xb: {  	s12 =	smul.u32 $0x500, s4;
	s4 =	sadd.s32 $0x5CA00, s6;
	s10 =	sshrl.u32 s9, $0x1  }
0xc: {  	s7 =	sshrl.u32 s7, $0x2;
	s14 =	sadd.s32 s8, s6;
	s15 =	ssub.s32 s9, s10  }
0xd: {  	s13 =	sadd.s32 s12, s6;
	s6 =	sadd.s32 s7, s2;
	s11 =	sadd.s32 s11, s12  }
0xe: {  	s24 =	sadd.s32 $0x84A00, s14;
	s14 =	simm.s32 $0x2800;
	s7 =	sadd.s32 $0x4000, s6  }
0xf: {  	s8 =	sadd.s32 $0x8000, s6;
	s9 =	sadd.s32 $0xC000, s6;
	s10 =	sadd.s32 $0x10000, s6  }
0x10: {  	s12 =	sadd.s32 $0x2200, s13;
	s13 =	smax.u32 s15, $0x1;
	s15 =	simm.s32 $0x3  }
0x11: {  	s24 =	sadd.s32 s25, s24;
	s25 =	sor.u32 $0x1C03, s31;
	s26 =	sadd.s32 $0x280, s11  }
.LBB2_1:
0x12: {  	[tilespmem:s14], [sflag:$0x3] =	stream.linear.gather [hbm4b:s5+s3], $0x4000, $0x38;
	[tilespmem:$0x1E800] =	vst v63  }
0x13: {  	_ =	swait.ge [sflag:s15], $0x4000  }
0x14: {  	[sflag:s15] =	ssyncset.done $0x0  }
0x15: {  	[sflag:s15] =	ssyncadd.s32 $0xFFFFC000  }
0x16: {  	[spmem:s6] =	stream.linear.scatter [tilespmem:s14], [sflag:$0x3], $0x4000, $0x38;
	[tilespmem:$0x1E800] =	vst v63  }
0x17: {  	_ =	swait.ge [sflag:s15], $0x4000  }
0x18: {  	[sflag:s15] =	ssyncset.done $0x0  }
0x19: {  	[sflag:s15] =	ssyncadd.s32 $0xFFFFC000  }
0x1a: {  	[spmem:s7] =	stream.linear.scatter [tilespmem:s14], [sflag:$0x3], $0x4000, $0x38;
	[tilespmem:$0x1E800] =	vst v63  }
0x1b: {  	_ =	swait.ge [sflag:s15], $0x4000  }
0x1c: {  	[sflag:s15] =	ssyncset.done $0x0  }
0x1d: {  	[sflag:s15] =	ssyncadd.s32 $0xFFFFC000  }
0x1e: {  	[spmem:s8] =	stream.linear.scatter [tilespmem:s14], [sflag:$0x3], $0x4000, $0x38;
	[tilespmem:$0x1E800] =	vst v63  }
0x1f: {  	_ =	swait.ge [sflag:s15], $0x4000  }
0x20: {  	[sflag:s15] =	ssyncset.done $0x0  }
0x21: {  	[sflag:s15] =	ssyncadd.s32 $0xFFFFC000  }
0x22: {  	[spmem:s9] =	stream.linear.scatter [tilespmem:s14], [sflag:$0x3], $0x4000, $0x38;
	[tilespmem:$0x1E800] =	vst v63  }
0x23: {  	_ =	swait.ge [sflag:s15], $0x4000  }
0x24: {  	[sflag:s15] =	ssyncset.done $0x0  }
0x25: {  	[sflag:s15] =	ssyncadd.s32 $0xFFFFC000  }
0x26: {  	[spmem:s10] =	stream.linear.scatter [tilespmem:s14], [sflag:$0x3], $0x4000, $0x38;
	[tilespmem:$0x1E800] =	vst v63  }
0x27: {  	_ =	swait.ge [sflag:s15], $0x4000  }
0x28: {  	[sflag:s15] =	ssyncset.done $0x0  }
0x29: {  	[sflag:s15] =	ssyncadd.s32 $0xFFFFC000  }
0x2a: {  	[bflag:$0x0] =	sbarrier.arrive $0xFFFF  }
0x2b: {  	[tilespmem:s3], [sflag:$0x3] =	stream.linear.gather [hbm4b:s11+s3], $0x1400, $0x38;
	[tilespmem:$0x1E800] =	vst v63  }
0x2c: {  	_ =	swait.ge [sflag:s15], $0x1400  }
0x2d: {  	[sflag:s15] =	ssyncset.done $0x0  }
0x2e: {  	[sflag:s15] =	ssyncadd.s32 $0xFFFFEC00  }
0x2f: {  	[tilespmem:s16], [sflag:$0x3] =	stream.linear.gather [hbm4b:s12+s3], $0x1400, $0x38;
	[tilespmem:$0x1E800] =	vst v63  }
0x30: {  	_ =	swait.ge [sflag:s15], $0x1400  }
0x31: {  	[sflag:s15] =	ssyncset.done $0x0  }
0x32: {  	[sflag:s15] =	ssyncadd.s32 $0xFFFFEC00  }
0x33: {  	[tilespmem:s14], [sflag:$0x1] =	stream.indirect.gather [hbm4b:s4+s17], $0x80, s3, s17, $0xb8;
	[tilespmem:$0x1E800] =	vst v63  }
0x34: {  	s29 =	simm.s32 $0x80  }
0x35: {  	[tilespmem:s18], [sflag:$0x2] =	stream.indirect.gather [hbm4b:s4+s17], $0x80, s29, s17, $0xb8;
	[tilespmem:$0x1E800] =	vst v63  }
0x36: {  	_ =	swait.ge [sflag:s19], $0x4000  }
0x37: {  	[sflag:s19] =	ssyncset.done $0x0  }
0x38: {  	s29 =	simm.s32 $0x1400;
	[sflag:s19] =	ssyncadd.s32 $0xFFFFC000  }
0x39: {  	[spmem:s2] =	stream.indirect.scatter.add.f32 [tilespmem:s14], [sflag:$0x3], $0x80, s29, s17, $0xb8;
	[tilespmem:$0x1E800] =	vst v63  }
0x3a: {  	_ =	swait.ge [sflag:s15], $0x4000  }
0x3b: {  	[sflag:s15] =	ssyncset.done $0x0  }
0x3c: {  	s29 =	simm.s32 $0x100;
	[sflag:s15] =	ssyncadd.s32 $0xFFFFC000  }
0x3d: {  	[tilespmem:s14], [sflag:$0x1] =	stream.indirect.gather [hbm4b:s4+s17], $0x80, s29, s17, $0xb8;
	[tilespmem:$0x1E800] =	vst v63  }
0x3e: {  	_ =	swait.ge [sflag:s20], $0x4000  }
0x3f: {  	[sflag:s20] =	ssyncset.done $0x0  }
0x40: {  	s29 =	simm.s32 $0x1480;
	[sflag:s20] =	ssyncadd.s32 $0xFFFFC000  }
0x41: {  	[spmem:s2] =	stream.indirect.scatter.add.f32 [tilespmem:s18], [sflag:$0x3], $0x80, s29, s17, $0xb8;
	[tilespmem:$0x1E800] =	vst v63  }
0x42: {  	_ =	swait.ge [sflag:s15], $0x4000  }
0x43: {  	s30 =	simm.s32 $0x800;
	s29 =	simm.s32 $0x100;
	[sflag:s15] =	ssyncset.done $0x0  }
.LBB2_2:
0x44: {  	s31 =	sadd.s32 $0x80, s29  }
0x45: {  	[sflag:s15] =	ssyncadd.s32 $0xFFFFC000;
	s1 =	smov.u32 s30;
	s0 =	sadd.s32 $0x400, s30  }
0x46: {  	[tilespmem:s18], [sflag:$0x2] =	stream.indirect.gather [hbm4b:s4+s17], $0x80, s31, s17, $0xb8;
	[tilespmem:$0x1E800] =	vst v63  }
0x47: {  	p0 =	sne.s32 s30, $0x4800;
	_ =	swait.ge [sflag:s19], $0x4000  }
0x48: {  	[sflag:s19] =	ssyncset.done $0x0  }
0x49: {  	s30 =	sadd.s32 $0x1400, s29;
	[sflag:s19] =	ssyncadd.s32 $0xFFFFC000  }
0x4a: {  	[spmem:s2] =	stream.indirect.scatter.add.f32 [tilespmem:s14], [sflag:$0x3], $0x80, s30, s17, $0xb8;
	[tilespmem:$0x1E800] =	vst v63  }
0x4b: {  	_ =	swait.ge [sflag:s15], $0x4000  }
0x4c: {  	[sflag:s15] =	ssyncset.done $0x0  }
0x4d: {  	s30 =	sadd.s32 $0x100, s29;
	[sflag:s15] =	ssyncadd.s32 $0xFFFFC000  }
0x4e: {  	[tilespmem:s14], [sflag:$0x1] =	stream.indirect.gather [hbm4b:s4+s17], $0x80, s30, s17, $0xb8;
	[tilespmem:$0x1E800] =	vst v63  }
0x4f: {  	_ =	swait.ge [sflag:s20], $0x4000  }
.Ltmp0:
0x50: {  	[sflag:s20] =	ssyncset.done $0x0;
	(pc) =	sbr.rel @p0 .LBB2_2-.Ltmp0, $4  }
0x51: {  	s29 =	sadd.s32 $0x1480, s29;
	[sflag:s20] =	ssyncadd.s32 $0xFFFFC000  }
0x52: {  	[spmem:s2] =	stream.indirect.scatter.add.f32 [tilespmem:s18], [sflag:$0x3], $0x80, s29, s17, $0xb8;
	[tilespmem:$0x1E800] =	vst v63  }
0x53: {  	_ =	swait.ge [sflag:s15], $0x4000  }
0x54: {  	s30 =	smov.u32 s0;
	s29 =	sshra.s32 s1, $0x2;
	[sflag:s15] =	ssyncset.done $0x0  }
0x55: {  	s0 =	sadd.s32 $0x80, s29;
	[sflag:s15] =	ssyncadd.s32 $0xFFFFC000  }
0x56: {  	[tilespmem:s18], [sflag:$0x2] =	stream.indirect.gather [hbm4b:s4+s17], $0x80, s0, s17, $0xb8;
	[tilespmem:$0x1E800] =	vst v63  }
0x57: {  	_ =	swait.ge [sflag:s19], $0x4000  }
0x58: {  	[sflag:s19] =	ssyncset.done $0x0  }
0x59: {  	s1 =	sadd.s32 $0x1400, s29;
	[sflag:s19] =	ssyncadd.s32 $0xFFFFC000  }
0x5a: {  	[spmem:s2] =	stream.indirect.scatter.add.f32 [tilespmem:s14], [sflag:$0x3], $0x80, s1, s17, $0xb8;
	[tilespmem:$0x1E800] =	vst v63  }
0x5b: {  	_ =	swait.ge [sflag:s15], $0x4000  }
0x5c: {  	[sflag:s15] =	ssyncset.done $0x0  }
0x5d: {  	s31 =	sadd.s32 $0x100, s29;
	[sflag:s15] =	ssyncadd.s32 $0xFFFFC000  }
0x5e: {  	[tilespmem:s14], [sflag:$0x1] =	stream.indirect.gather [hbm4b:s4+s17], $0x80, s31, s17, $0xb8;
	[tilespmem:$0x1E800] =	vst v63  }
0x5f: {  	_ =	swait.ge [sflag:s20], $0x4000  }
0x60: {  	[sflag:s20] =	ssyncset.done $0x0  }
0x61: {  	s1 =	sadd.s32 $0x1480, s29;
	[sflag:s20] =	ssyncadd.s32 $0xFFFFC000  }
0x62: {  	[spmem:s2] =	stream.indirect.scatter.add.f32 [tilespmem:s18], [sflag:$0x3], $0x80, s1, s17, $0xb8;
	[tilespmem:$0x1E800] =	vst v63  }
0x63: {  	_ =	swait.ge [sflag:s15], $0x4000  }
0x64: {  	[sflag:s15] =	ssyncset.done $0x0  }
0x65: {  	[sflag:s15] =	ssyncadd.s32 $0xFFFFC000  }
0x66: {  	[tilespmem:s18], [sflag:$0x2] =	stream.indirect.gather [hbm4b:s4+s17], $0x80, s21, s17, $0xb8;
	[tilespmem:$0x1E800] =	vst v63  }
0x67: {  	_ =	swait.ge [sflag:s19], $0x4000  }
0x68: {  	[sflag:s19] =	ssyncset.done $0x0  }
0x69: {  	[sflag:s19] =	ssyncadd.s32 $0xFFFFC000  }
0x6a: {  	[spmem:s2] =	stream.indirect.scatter.add.f32 [tilespmem:s14], [sflag:$0x3], $0x80, s22, s17, $0xb8;
	[tilespmem:$0x1E800] =	vst v63  }
0x6b: {  	_ =	swait.ge [sflag:s15], $0x4000  }
0x6c: {  	[sflag:s15] =	ssyncset.done $0x0  }
0x6d: {  	[sflag:s15] =	ssyncadd.s32 $0xFFFFC000  }
0x6e: {  	_ =	swait.ge [sflag:s20], $0x4000  }
0x6f: {  	[sflag:s20] =	ssyncset.done $0x0  }
0x70: {  	[sflag:s20] =	ssyncadd.s32 $0xFFFFC000  }
0x71: {  	[spmem:s2] =	stream.indirect.scatter.add.f32 [tilespmem:s18], [sflag:$0x3], $0x80, s23, s17, $0xb8;
	[tilespmem:$0x1E800] =	vst v63  }
0x72: {  	_ =	swait.ge [sflag:s15], $0x4000  }
0x73: {  	[sflag:s15] =	ssyncset.done $0x0  }
0x74: {  	s31 =	simm.s32 $0x0;
	[sflag:s15] =	ssyncadd.s32 $0xFFFFC000  }
0x75: {  	[tilespmem:s31], [sflag:$0x3] =	stream.linear.gather [hbm4b:s26+s31], $0x1400, $0x38;
	[tilespmem:$0x1E800] =	vst v63  }
0x76: {  	_ =	swait.ge [sflag:s15], $0x1400  }
0x77: {  	[sflag:s15] =	ssyncset.done $0x0  }
0x78: {  	s1 =	sadd.s32 $0x280, s12;
	[sflag:s15] =	ssyncadd.s32 $0xFFFFEC00  }
0x79: {  	[tilespmem:s16], [sflag:$0x3] =	stream.linear.gather [hbm4b:s1+s31], $0x1400, $0x38;
	[tilespmem:$0x1E800] =	vst v63  }
0x7a: {  	_ =	swait.ge [sflag:s15], $0x1400  }
0x7b: {  	[sflag:s15] =	ssyncset.done $0x0  }
0x7c: {  	[sflag:s15] =	ssyncadd.s32 $0xFFFFEC00  }
0x7d: {  	[tilespmem:s14], [sflag:$0x1] =	stream.indirect.gather [hbm4b:s4+s17], $0x80, s31, s17, $0xb8;
	[tilespmem:$0x1E800] =	vst v63  }
0x7e: {  	s1 =	simm.s32 $0x80  }
0x7f: {  	[tilespmem:s18], [sflag:$0x2] =	stream.indirect.gather [hbm4b:s4+s17], $0x80, s1, s17, $0xb8;
	[tilespmem:$0x1E800] =	vst v63  }
0x80: {  	_ =	swait.ge [sflag:s19], $0x4000  }
0x81: {  	[sflag:s19] =	ssyncset.done $0x0  }
0x82: {  	s31 =	simm.s32 $0x1400;
	[sflag:s19] =	ssyncadd.s32 $0xFFFFC000  }
0x83: {  	[spmem:s2] =	stream.indirect.scatter.add.f32 [tilespmem:s14], [sflag:$0x3], $0x80, s31, s17, $0xb8;
	[tilespmem:$0x1E800] =	vst v63  }
0x84: {  	_ =	swait.ge [sflag:s15], $0x4000  }
0x85: {  	[sflag:s15] =	ssyncset.done $0x0  }
0x86: {  	s1 =	simm.s32 $0x100;
	[sflag:s15] =	ssyncadd.s32 $0xFFFFC000  }
0x87: {  	[tilespmem:s14], [sflag:$0x1] =	stream.indirect.gather [hbm4b:s4+s17], $0x80, s1, s17, $0xb8;
	[tilespmem:$0x1E800] =	vst v63  }
0x88: {  	_ =	swait.ge [sflag:s20], $0x4000  }
0x89: {  	[sflag:s20] =	ssyncset.done $0x0  }
0x8a: {  	s31 =	simm.s32 $0x1480;
	[sflag:s20] =	ssyncadd.s32 $0xFFFFC000  }
0x8b: {  	[spmem:s2] =	stream.indirect.scatter.add.f32 [tilespmem:s18], [sflag:$0x3], $0x80, s31, s17, $0xb8;
	[tilespmem:$0x1E800] =	vst v63  }
0x8c: {  	_ =	swait.ge [sflag:s15], $0x4000  }
0x8d: {  	s30 =	simm.s32 $0x800;
	s29 =	simm.s32 $0x100;
	[sflag:s15] =	ssyncset.done $0x0  }
.LBB2_4:
0x8e: {  	s0 =	sadd.s32 $0x80, s29  }
0x8f: {  	[sflag:s15] =	ssyncadd.s32 $0xFFFFC000;
	s1 =	smov.u32 s30;
	s31 =	sadd.s32 $0x400, s30  }
0x90: {  	[tilespmem:s18], [sflag:$0x2] =	stream.indirect.gather [hbm4b:s4+s17], $0x80, s0, s17, $0xb8;
	[tilespmem:$0x1E800] =	vst v63  }
0x91: {  	p0 =	sne.s32 s30, $0x4800;
	_ =	swait.ge [sflag:s19], $0x4000  }
0x92: {  	[sflag:s19] =	ssyncset.done $0x0  }
0x93: {  	s0 =	sadd.s32 $0x1400, s29;
	[sflag:s19] =	ssyncadd.s32 $0xFFFFC000  }
0x94: {  	[spmem:s2] =	stream.indirect.scatter.add.f32 [tilespmem:s14], [sflag:$0x3], $0x80, s0, s17, $0xb8;
	[tilespmem:$0x1E800] =	vst v63  }
0x95: {  	_ =	swait.ge [sflag:s15], $0x4000  }
0x96: {  	[sflag:s15] =	ssyncset.done $0x0  }
0x97: {  	s0 =	sadd.s32 $0x100, s29;
	[sflag:s15] =	ssyncadd.s32 $0xFFFFC000  }
0x98: {  	[tilespmem:s14], [sflag:$0x1] =	stream.indirect.gather [hbm4b:s4+s17], $0x80, s0, s17, $0xb8;
	[tilespmem:$0x1E800] =	vst v63  }
0x99: {  	_ =	swait.ge [sflag:s20], $0x4000  }
.Ltmp1:
0x9a: {  	[sflag:s20] =	ssyncset.done $0x0;
	(pc) =	sbr.rel @p0 .LBB2_4-.Ltmp1, $4  }
0x9b: {  	s0 =	sadd.s32 $0x1480, s29;
	[sflag:s20] =	ssyncadd.s32 $0xFFFFC000  }
0x9c: {  	[spmem:s2] =	stream.indirect.scatter.add.f32 [tilespmem:s18], [sflag:$0x3], $0x80, s0, s17, $0xb8;
	[tilespmem:$0x1E800] =	vst v63  }
0x9d: {  	_ =	swait.ge [sflag:s15], $0x4000  }
0x9e: {  	s30 =	smov.u32 s31;
	s29 =	sshra.s32 s1, $0x2;
	[sflag:s15] =	ssyncset.done $0x0  }
0x9f: {  	s0 =	sadd.s32 $0x80, s29;
	[sflag:s15] =	ssyncadd.s32 $0xFFFFC000  }
0xa0: {  	[tilespmem:s18], [sflag:$0x2] =	stream.indirect.gather [hbm4b:s4+s17], $0x80, s0, s17, $0xb8;
	[tilespmem:$0x1E800] =	vst v63  }
0xa1: {  	_ =	swait.ge [sflag:s19], $0x4000  }
0xa2: {  	[sflag:s19] =	ssyncset.done $0x0  }
0xa3: {  	s31 =	sadd.s32 $0x1400, s29;
	[sflag:s19] =	ssyncadd.s32 $0xFFFFC000  }
0xa4: {  	[spmem:s2] =	stream.indirect.scatter.add.f32 [tilespmem:s14], [sflag:$0x3], $0x80, s31, s17, $0xb8;
	[tilespmem:$0x1E800] =	vst v63  }
0xa5: {  	_ =	swait.ge [sflag:s15], $0x4000  }
0xa6: {  	[sflag:s15] =	ssyncset.done $0x0  }
0xa7: {  	s1 =	sadd.s32 $0x100, s29;
	[sflag:s15] =	ssyncadd.s32 $0xFFFFC000  }
0xa8: {  	[tilespmem:s14], [sflag:$0x1] =	stream.indirect.gather [hbm4b:s4+s17], $0x80, s1, s17, $0xb8;
	[tilespmem:$0x1E800] =	vst v63  }
0xa9: {  	_ =	swait.ge [sflag:s20], $0x4000  }
0xaa: {  	[sflag:s20] =	ssyncset.done $0x0  }
0xab: {  	s30 =	sadd.s32 $0x1480, s29;
	[sflag:s20] =	ssyncadd.s32 $0xFFFFC000  }
0xac: {  	[spmem:s2] =	stream.indirect.scatter.add.f32 [tilespmem:s18], [sflag:$0x3], $0x80, s30, s17, $0xb8;
	[tilespmem:$0x1E800] =	vst v63  }
0xad: {  	_ =	swait.ge [sflag:s15], $0x4000  }
0xae: {  	[sflag:s15] =	ssyncset.done $0x0  }
0xaf: {  	[sflag:s15] =	ssyncadd.s32 $0xFFFFC000  }
0xb0: {  	[tilespmem:s18], [sflag:$0x2] =	stream.indirect.gather [hbm4b:s4+s17], $0x80, s21, s17, $0xb8;
	[tilespmem:$0x1E800] =	vst v63  }
0xb1: {  	_ =	swait.ge [sflag:s19], $0x4000  }
0xb2: {  	[sflag:s19] =	ssyncset.done $0x0  }
0xb3: {  	[sflag:s19] =	ssyncadd.s32 $0xFFFFC000  }
0xb4: {  	[spmem:s2] =	stream.indirect.scatter.add.f32 [tilespmem:s14], [sflag:$0x3], $0x80, s22, s17, $0xb8;
	[tilespmem:$0x1E800] =	vst v63  }
0xb5: {  	_ =	swait.ge [sflag:s15], $0x4000  }
0xb6: {  	[sflag:s15] =	ssyncset.done $0x0  }
0xb7: {  	[sflag:s15] =	ssyncadd.s32 $0xFFFFC000  }
0xb8: {  	_ =	swait.ge [sflag:s20], $0x4000  }
0xb9: {  	[sflag:s20] =	ssyncset.done $0x0  }
0xba: {  	[sflag:s20] =	ssyncadd.s32 $0xFFFFC000  }
0xbb: {  	[spmem:s2] =	stream.indirect.scatter.add.f32 [tilespmem:s18], [sflag:$0x3], $0x80, s23, s17, $0xb8;
	[tilespmem:$0x1E800] =	vst v63  }
0xbc: {  	_ =	swait.ge [sflag:s15], $0x4000  }
0xbd: {  	s28 =	sadd.s32 $0x1, s28;
	[sflag:s15] =	ssyncset.done $0x0  }
0xbe: {  	p0 =	sne.s32 s28, s13;
	[sflag:s15] =	ssyncadd.s32 $0xFFFFC000  }
.Ltmp2:
0xbf: {  	s31 =	sshrl.u32 s6, $0x3;
	[bflag:$0x0] =	sbarrier.arrive $0xFFFF;
	(pc) =	sbr.rel @p0 .LBB2_1-.Ltmp2, $4  }
0xc0: {  	[hbm:s24], [sflag:s25] =	dma.local [spmem:s31], $0x2800  }
0xc1: {  	_ =	swait.ge [sflag:s15], $0x2800  }
0xc2: {  	[sflag:s15] =	ssyncset.done $0x0  }
0xc3: {  	[sflag:s15] =	ssyncadd.s32 $0xFFFFD800  }
0xc4: {  	_ =	sfence.sel $0x180000  }
0xc5: {  	[bflag:$0x0] =	sbarrier.arrive $0xFFFF  }
0xc6: {  	_ =	strace $0x9000004A  }
0xc7: {  	s0 =	stileid.u32;
	[bflag:$0x2] =	sbarrier.arrive $0xFFFF  }
0xc8: {  	p0 =	sne.s32 s0, $0x0;
	s0 =	rddreg [dreg:$0x3]  }
0xc9: {  	s0 =	sadd.s32 @!p0 $0x100000, s0  }
0xca: {  	[sflag:s0] =	ssyncadd.tile.s32 @!p0 $0x1;
	_ =	shalt  }
.Lfunc_end2:
_tile_overlayer_lowered:
.L_overlay_start_2:
0xcb: {  	(tag) =	ssettag $0x2  }
0xcc: {  	s0 =	rddreg [dreg:$0x0];
	s2 =	stileid.u32  }
0xcd: {  	s1 =	rddreg [dreg:$0x1];
	p0 =	sne.s32 s2, $0x0  }
0xce: {  	s3 =	rddreg [dreg:$0x2];
	[bflag:$0x3] =	sbarrier.arrive $0xFFFF;
	s2 =	simm.s32 @!p0 $0x1C03  }
0xcf: {  	[timem:s3], [sflag:s2] =	dma.local @!p0 [hbm:s0], s1  }
0xd0: {  	s0 =	simm.s32 @!p0 $0x3  }
0xd1: {  	_ =	swait.ge @!p0 [sflag:s0], s1  }
0xd2: {  	s1 =	ssub.s32 @!p0 $0x0, s1;
	[sflag:s0] =	ssyncset.done @!p0 $0x0  }
0xd3: {  	[sflag:s0] =	ssyncadd.s32 @!p0 s1  }
0xd4: {  	[bflag:$0x3] =	sbarrier.arrive $0xFFFF  }
0xd5: {  	_ =	shalt  }

</sc_bundles>
